<compile_context>
chip_gen: v7x
topology: tpu7x:2x2x1
jax: 0.10.2.dev20260603
libtpu: 0.0.44.dev20260713+nightly
codegen_flags: <defaults>
</compile_context>

<pallas_src>
import functools

import jax
import jax.numpy as jnp
from jax import lax
from jax.experimental import pallas as pl
from jax.experimental.pallas import tpu as pltpu
from jax.experimental.pallas import tpu_sc as plsc

N = 50000
Q = 512
KNN = 16
H = 128
NC = 13
L = 16
NP = 50048
TD = 256
SC_CORES = 2
SC_SUBCORES = 16
NW = SC_CORES * SC_SUBCORES
QTILE = 128
INF = float("inf")



def _make_sc_gather(B, D):
    b_per_w = B // NW
    mesh = plsc.VectorSubcoreMesh(core_axis_name="c", subcore_axis_name="s")

    @functools.partial(
        pl.kernel,
        out_type=jax.ShapeDtypeStruct((B, D), jnp.float32),
        mesh=mesh,
        scratch_types=[
            pltpu.VMEM((b_per_w,), jnp.int32),
            pltpu.VMEM((b_per_w, D), jnp.float32),
            pltpu.SemaphoreType.DMA,
        ],
    )
    def gather_kernel(table_hbm, idx_hbm, out_hbm, idx_v, rows_v, sem):
        wid = lax.axis_index("s") * SC_CORES + lax.axis_index("c")
        base = wid * b_per_w
        pltpu.sync_copy(idx_hbm.at[pl.ds(base, b_per_w)], idx_v)
        pltpu.async_copy(table_hbm.at[idx_v], rows_v, sem).wait()
        pltpu.sync_copy(rows_v, out_hbm.at[pl.ds(base, b_per_w)])

    return gather_kernel


def _gather_rows(table, idx):
    return _make_sc_gather(idx.shape[0], table.shape[1])(table, idx)



PBLK = 2000


def _pack_kernel(feat_ref, xyz_ref, bt_ref, out_ref):
    out_ref[:, 0 : H + NC] = feat_ref[...]
    out_ref[:, H + NC : H + NC + 3] = xyz_ref[...]
    out_ref[:, 144:145] = bt_ref[...]
    out_ref[:, 145:TD] = jnp.zeros((PBLK, TD - 145), jnp.float32)


def _pack_table(gcnfeat, support_xyz, batchf):
    return pl.pallas_call(
        _pack_kernel,
        grid=(N // PBLK,),
        in_specs=[
            pl.BlockSpec((PBLK, H + NC), lambda i: (i, 0)),
            pl.BlockSpec((PBLK, 3), lambda i: (i, 0)),
            pl.BlockSpec((PBLK, 1), lambda i: (i, 0)),
        ],
        out_specs=pl.BlockSpec((PBLK, TD), lambda i: (i, 0)),
        out_shape=jax.ShapeDtypeStruct((N, TD), jnp.float32),
    )(gcnfeat, support_xyz, batchf[:, None])



CW = 2944
NCH = NP // CW


def _knn_kernel(tb_ref, qx_ref, nq_ref, qb_ref, sxt_ref, sn_ref, bf_ref,
                col_ref, d2_ref):
    qx = qx_ref[...]
    qb = qb_ref[...]
    nq = nq_ref[...]
    pid = pl.program_id(0)
    c0 = tb_ref[pid, 0]
    c1 = tb_ref[pid, 1]

    def fill(c, _):
        off = c * CW
        sx = sxt_ref[:, pl.ds(off, CW)]
        dot = (qx[:, 0:1] * sx[0:1, :] + qx[:, 1:2] * sx[1:2, :]
               + qx[:, 2:3] * sx[2:3, :])
        d2 = (nq + sn_ref[:, pl.ds(off, CW)]) - 2.0 * dot
        d2_ref[:, pl.ds(off, CW)] = jnp.where(
            qb == bf_ref[:, pl.ds(off, CW)], d2, INF)
        return 0

    lax.fori_loop(c0, c1, fill, 0)

    iota_c = lax.broadcasted_iota(jnp.int32, (QTILE, CW), 1)
    lane_k = lax.broadcasted_iota(jnp.int32, (QTILE, KNN), 1)

    def extract(j, carry):
        prev_idx, cols_acc = carry

        def scan(c, mcarry):
            m, idx = mcarry
            off = c * CW
            gi = iota_c + off
            ch = d2_ref[:, pl.ds(off, CW)]
            ch = jnp.where(gi == prev_idx, INF, ch)
            d2_ref[:, pl.ds(off, CW)] = ch
            cmin = jnp.min(ch, axis=1, keepdims=True)
            lidx = jnp.min(jnp.where(ch == cmin, gi, NP), axis=1,
                           keepdims=True)
            better = jnp.logical_or(cmin < m,
                                    jnp.logical_and(cmin == m, lidx < idx))
            return (jnp.where(better, cmin, m),
                    jnp.where(better, lidx, idx))

        m0 = jnp.full((QTILE, 1), INF, jnp.float32)
        i0 = jnp.full((QTILE, 1), NP, jnp.int32)
        _, idx = lax.fori_loop(c0, c1, scan, (m0, i0))
        cols_acc = jnp.where(lane_k == j,
                             jnp.broadcast_to(idx, (QTILE, KNN)), cols_acc)
        return idx, cols_acc

    prev0 = jnp.full((QTILE, 1), -1, jnp.int32)
    cols0 = jnp.zeros((QTILE, KNN), jnp.int32)
    _, cols = lax.fori_loop(0, KNN, extract, (prev0, cols0))
    col_ref[...] = cols


def _knn(tb, qxr, nq, qb, sxt, sn, bf):
    grid = Q // QTILE
    grid_spec = pltpu.PrefetchScalarGridSpec(
        num_scalar_prefetch=1,
        grid=(grid,),
        in_specs=[
            pl.BlockSpec((QTILE, 3), lambda i, tb: (i, 0)),
            pl.BlockSpec((QTILE, 1), lambda i, tb: (i, 0)),
            pl.BlockSpec((QTILE, 1), lambda i, tb: (i, 0)),
            pl.BlockSpec((3, NP), lambda i, tb: (0, 0)),
            pl.BlockSpec((1, NP), lambda i, tb: (0, 0)),
            pl.BlockSpec((1, NP), lambda i, tb: (0, 0)),
        ],
        out_specs=pl.BlockSpec((QTILE, KNN), lambda i, tb: (i, 0)),
        scratch_shapes=[pltpu.VMEM((QTILE, NP), jnp.float32)],
    )
    return pl.pallas_call(
        _knn_kernel,
        grid_spec=grid_spec,
        out_shape=jax.ShapeDtypeStruct((Q, KNN), jnp.int32),
    )(tb, qxr, nq, qb, sxt, sn, bf)



def _affinity_kernel(rows_ref, qx_ref, leaf_ref, w1_ref, b1_ref, w2_ref,
                     b2_ref, wl_ref, bl_ref, out_ref, matf_ref):
    GR = 256
    w1 = w1_ref[...]
    b1 = b1_ref[...]
    w2 = w2_ref[...]
    b2 = b2_ref[...]
    wl = wl_ref[...]
    bl = bl_ref[...]

    def _rownorm(x):
        return jnp.maximum(jnp.sqrt(jnp.sum(x * x, axis=1, keepdims=True)),
                           1e-8)

    rowq = lax.broadcasted_iota(jnp.int32, (GR, 1), 0) // L

    def _bf(x):
        return x.astype(jnp.bfloat16)

    def _numer(x, y):
        r = lax.dot_general(_bf(x), _bf(y), (((1,), (1,)), ((), ())),
                            preferred_element_type=jnp.float32)
        acc = jnp.zeros((GR, KNN), jnp.float32)
        for p in range(L):
            acc = jnp.where(rowq == p, r[:, p * KNN : (p + 1) * KNN], acc)
        return acc

    def _den(nx, ny):
        ny_r = jnp.broadcast_to(ny.reshape(L, 1, KNN),
                                (L, L, KNN)).reshape(GR, KNN)
        return nx * ny_r

    def group(g, _):
        r0 = g * GR
        rows = rows_ref[pl.ds(r0, GR), :]
        leaf = leaf_ref[pl.ds(r0, GR), :]
        feat_j = rows[:, :H]
        cls_in = rows[:, H : H + NC]
        xyz_j = rows[:, 141:144]
        qx = qx_ref[pl.ds(g * L, L), :]
        xyz_i = jnp.broadcast_to(
            qx.reshape(L, 1, 3), (L, KNN, 3)).reshape(GR, 3)
        diff = xyz_i - xyz_j
        dn = jnp.sqrt(jnp.sum(diff * diff, axis=1, keepdims=True))

        ew = jnp.concatenate([xyz_i, xyz_j, diff, dn], axis=1)
        h1 = jnp.maximum(
            jnp.dot(_bf(ew), _bf(w1), preferred_element_type=jnp.float32)
            + b1, 0.0)
        edge_w = jnp.dot(_bf(h1), _bf(w2),
                         preferred_element_type=jnp.float32) + b2
        cls_w = jnp.dot(_bf(cls_in), _bf(wl),
                        preferred_element_type=jnp.float32) + bl

        l1 = leaf[:, :H]
        l2 = leaf[:, H : 2 * H]
        l3 = leaf[:, 2 * H :]
        mat1 = _numer(l1, edge_w) / _den(_rownorm(l1), _rownorm(edge_w))
        mat2 = _numer(l2, cls_w) / _den(_rownorm(l2), _rownorm(cls_w))
        mat3 = _numer(l3, feat_j) / _den(_rownorm(l3), _rownorm(feat_j))
        matf_ref[pl.ds(r0, GR), :] = (mat1 + mat2) / 4.0 + mat3 / 2.0
        return 0

    lax.fori_loop(0, Q // L, group, 0)

    mat3 = matf_ref[...].reshape(Q, L, KNN)
    eps = jnp.float32(1.0 / L)
    iota_k = lax.broadcasted_iota(jnp.int32, (Q, L, KNN), 2)
    iota_l = lax.broadcasted_iota(jnp.int32, (Q, L, KNN), 1)

    def body(carry):
        _, cnt, cost, ass = carry
        value = mat3 - cost
        m1 = jnp.max(value, axis=2, keepdims=True)
        i1 = jnp.min(jnp.where(value == m1, iota_k, KNN), axis=2,
                     keepdims=True)
        m2 = jnp.max(jnp.where(iota_k == i1, -INF, value), axis=2,
                     keepdims=True)
        bid = m1 - m2 + eps
        ass3 = ass.reshape(Q, L, 1)
        bids = jnp.where((iota_k == i1) & (ass3 == -1), bid, 0.0)
        hb = jnp.max(bids, axis=1, keepdims=True)
        have = hb > 0.0
        bidder = jnp.min(jnp.where(bids == hb, iota_l, L), axis=1,
                         keepdims=True)
        cost = cost + jnp.where(have, hb, 0.0)
        ha = jnp.max(jnp.where(
            (iota_k == jnp.clip(ass3, 0, KNN - 1)) & have, 1, 0), axis=2)
        ass = jnp.where((ass >= 0) & (ha > 0), -1, ass)
        newk = jnp.min(jnp.where((bidder == iota_l) & have, iota_k, KNN),
                       axis=2)
        ass = jnp.where(newk < KNN, newk, ass)
        return jnp.min(ass), cnt + 1, cost, ass

    def cond(carry):
        low, cnt, _, _ = carry
        return jnp.logical_and(low == -1, cnt < 1000)

    cost0 = jnp.zeros((Q, 1, KNN), jnp.float32)
    ass0 = jnp.full((Q, L), -1, jnp.int32)
    _, _, _, ass = lax.while_loop(cond, body, (jnp.int32(-1), jnp.int32(0),
                                               cost0, ass0))
    gm = jnp.clip(ass, 0, KNN - 1).reshape(Q, L, 1)
    matched = jnp.sum(jnp.where(iota_k == gm, mat3, 0.0), axis=2)
    out_ref[...] = jnp.sum(matched, axis=1, keepdims=True) / L


def _affinity(rows, qx3, leaf2d, W1, b1, W2, b2, Wl, bl):
    P = Q * KNN
    whole = lambda shape: pl.BlockSpec(shape, lambda: tuple(0 for _ in shape))
    return pl.pallas_call(
        _affinity_kernel,
        in_specs=[
            whole((P, TD)),
            whole((Q, 3)),
            whole((P, 3 * H)),
            whole((10, 64)),
            whole((1, 64)),
            whole((64, H)),
            whole((1, H)),
            whole((NC, H)),
            whole((1, H)),
        ],
        out_specs=whole((Q, 1)),
        out_shape=jax.ShapeDtypeStruct((Q, 1), jnp.float32),
        scratch_shapes=[
            pltpu.VMEM((P, KNN), jnp.float32),
        ],
    )(rows, qx3, leaf2d, W1, b1, W2, b2, Wl, bl)



def kernel(support_xyz, batch_index, filtered_index, gcnfeat, leaf_node_all,
           W1, b1, W2, b2, Wl, bl):
    batchf = batch_index.astype(jnp.float32)
    table = _pack_table(gcnfeat, support_xyz, batchf)
    NBMAX = 8

    qrows = _gather_rows(table, filtered_index.astype(jnp.int32))
    qx3 = qrows[:, 141:144]
    qb = qrows[:, 144:145]

    qxr = qx3.astype(jnp.bfloat16).astype(jnp.float32)
    nq = jnp.sum(qx3 ** 2, axis=1)[:, None]
    sxt = jnp.pad(support_xyz.T.astype(jnp.bfloat16).astype(jnp.float32),
                  ((0, 0), (0, NP - N)))
    sn = jnp.pad(jnp.sum(support_xyz ** 2, axis=1),
                 (0, NP - N))[None, :]
    bf = jnp.pad(batchf, (0, NP - N),
                 constant_values=-1.0)[None, :]

    qbi = qb[:, 0].astype(jnp.int32)
    perm = jnp.argsort(qbi, stable=True)
    inv = jnp.argsort(perm, stable=True)
    qbs = qbi[perm]
    bids = jnp.arange(NBMAX, dtype=batch_index.dtype)
    starts = jnp.searchsorted(batch_index, bids, side="left")
    ends = jnp.searchsorted(batch_index, bids, side="right")
    lo = starts[qbs[0::QTILE]].astype(jnp.int32)
    hi = ends[qbs[QTILE - 1 :: QTILE]].astype(jnp.int32)
    tb = jnp.stack([lo // CW, (hi + CW - 1) // CW], axis=1)

    col_s = _knn(tb, qxr[perm], nq[perm], qb[perm], sxt, sn, bf)
    col = col_s[inv]

    rows = _gather_rows(table, col.reshape(Q * KNN))
    leaf2d = leaf_node_all.reshape(Q * KNN, 3 * H)

    out = _affinity(rows, qx3, leaf2d, W1, b1[None, :], W2, b2[None, :],
                    Wl, bl[None, :])
    return out.reshape(Q)

# --- scband reference (transcript-rebuilt; emitter-appended) ---
"""Pipeline reference for scband-graph-match-dist-31190052504135 (READ-ONLY COPY).

The authoritative reference and input builder live on the scoring server;
editing this copy changes nothing except your own understanding.
"""

import jax, jax.numpy as jnp
import numpy as np

N = 50000
Q = 512
KNN = 16
H = 128
NC = 13
L = 16
NB = 8


def _cos_mat(x, y, eps=1e-8):
    num = x @ y.T
    nx = jnp.maximum(jnp.linalg.norm(x, axis=1), eps)
    ny = jnp.maximum(jnp.linalg.norm(y, axis=1), eps)
    return num / (nx[:, None] * ny[None, :])


def _auction_lap(X, eps):
    Lr, Kc = X.shape

    def cond(state):
        cost, ass, cnt = state
        return jnp.logical_and(jnp.any(ass == -1), cnt < 1000)

    def body(state):
        cost, ass, cnt = state
        unassigned = ass == -1
        value = X - cost[None, :]
        top_val, top_idx = jax.lax.top_k(value, 2)
        bid_inc = top_val[:, 0] - top_val[:, 1] + eps
        first = top_idx[:, 0]
        bids = jnp.zeros((Lr, Kc), X.dtype).at[jnp.arange(Lr), first].set(
            jnp.where(unassigned, bid_inc, 0.0))
        high_bids = bids.max(axis=0)
        high_bidders = jnp.argmax(bids, axis=0)
        have = high_bids > 0.0
        cost = cost + jnp.where(have, high_bids, 0.0)
        outbid = jnp.where(ass >= 0, have[jnp.clip(ass, 0, Kc - 1)], False)
        ass = jnp.where(outbid, -1, ass)
        winner = jnp.where(have, high_bidders, Lr)
        ass = ass.at[winner].set(jnp.arange(Kc), mode='drop')
        return cost, ass, cnt + 1

    cost0 = jnp.zeros((Kc,), X.dtype)
    ass0 = jnp.full((Lr,), -1, dtype=jnp.int32)
    _, ass, _ = jax.lax.while_loop(cond, body, (cost0, ass0, jnp.int32(0)))
    return jnp.clip(ass, 0, Kc - 1)


def setup_inputs(seed: int = 0):
    key = jax.random.key(seed)
    ks = jax.random.split(key, 12)
    return {
        'support_xyz': jax.random.normal(ks[0], (N, 3), jnp.float32),
        'batch_index': jnp.sort(jax.random.randint(ks[1], (N,), 0, NB, jnp.int32)),
        'filtered_index': jax.random.randint(ks[2], (Q,), 0, N, jnp.int32),
        'gcnfeat': jax.random.normal(ks[3], (N, H + NC), jnp.float32),
        'leaf_node_all': jax.random.normal(ks[4], (Q, L, 3 * H), jnp.float32),
        'W1': jax.random.normal(ks[5], (10, 64), jnp.float32) * 0.1,
        'b1': jnp.zeros((64,), jnp.float32),
        'W2': jax.random.normal(ks[6], (64, H), jnp.float32) * 0.1,
        'b2': jnp.zeros((H,), jnp.float32),
        'Wl': jax.random.normal(ks[7], (NC, H), jnp.float32) * 0.1,
        'bl': jnp.zeros((H,), jnp.float32),
    }


def reference(support_xyz, batch_index, filtered_index, gcnfeat, leaf_node_all,
              W1, b1, W2, b2, Wl, bl):
    query_xyz = support_xyz[filtered_index]
    q_batch = batch_index[filtered_index]
    d2 = (jnp.sum(query_xyz ** 2, 1)[:, None]
          + jnp.sum(support_xyz ** 2, 1)[None, :]
          - 2.0 * (query_xyz @ support_xyz.T))
    d2 = jnp.where(q_batch[:, None] == batch_index[None, :], d2, jnp.inf)
    _, col = jax.lax.top_k(-jax.lax.stop_gradient(d2), KNN)

    def per_query(qxyz, cols, leaf):
        xyz_j = support_xyz[cols]
        xyz_i = jnp.broadcast_to(qxyz[None, :], (KNN, 3))
        feat_j = gcnfeat[cols]
        diff = xyz_i - xyz_j
        ew = jnp.concatenate(
            [xyz_i, xyz_j, diff, jnp.linalg.norm(diff, axis=-1, keepdims=True)],
            axis=-1)
        edge_w = jnp.maximum(ew @ W1 + b1, 0.0) @ W2 + b2
        cls_w = feat_j[:, -NC:] @ Wl + bl
        mat1 = _cos_mat(leaf[:, :H], edge_w)
        mat2 = _cos_mat(leaf[:, H:2 * H], cls_w)
        mat3 = _cos_mat(leaf[:, 2 * H:], feat_j[:, :H])
        mat = (mat1 + mat2) / 4.0 + mat3 / 2.0
        gm_idx = _auction_lap(jax.lax.stop_gradient(mat), 1.0 / L)
        return mat[jnp.arange(L), gm_idx].mean()

    return jax.vmap(per_query)(query_xyz, col, leaf_node_all)

if __name__ == "__main__":
    import jax
    _d = setup_inputs()
    print(jax.jit(kernel)(*tuple(_d.values())))

</pallas_src>

<mosaic_0001>
#map = affine_map<(d0, d1) -> (0, 0)>
#map1 = affine_map<(d0, d1) -> (0)>
module attributes {stable_mosaic.version = 14 : i64} {
  func.func @gather_kernel(%arg0: i32, %arg1: i32, %arg2: memref<50000x256xf32, #tpu.memory_space<hbm>>, %arg3: memref<8192xi32, #tpu.memory_space<hbm>>, %arg4: memref<8192x256xf32, #tpu.memory_space<hbm>>, %arg5: memref<256xi32, #tpu.memory_space<vmem>>, %arg6: memref<256x256xf32, #tpu.memory_space<vmem>>, %arg7: memref<!tpu.dma_semaphore, #tpu.memory_space<semaphore_mem>>) attributes {dimension_semantics = [#tpu.dimension_semantics<core_parallel>, #tpu.dimension_semantics<subcore_parallel>], iteration_bounds = array<i64: 2, 16>, scalar_prefetch = 0 : i64, scratch_operands = 3 : i64, tpu.core_type = #tpu.core_type<sc_vector_subcore>, window_params = [{transform_indices = #map}, {transform_indices = #map1}, {transform_indices = #map}]} {
    %mul3A = arith.constant 2 : i32
    %mul3A_0 = arith.muli %arg1, %mul3A : i32
    %add3A = arith.addi %mul3A_0, %arg0 : i32
    %mul3A_1 = arith.constant 256 : i32
    %mul3A_2 = arith.muli %add3A, %mul3A_1 : i32
    "tpu.region"() ({
      %run_scoped3A = tpu.sem_alloc : memref<!tpu.dma_semaphore, #tpu.memory_space<semaphore_mem>>
      %dma_start3A_7 = tpu.memref_slice %arg3[%mul3A_2] : memref<8192xi32, #tpu.memory_space<hbm>> -> memref<256xi32, #tpu.memory_space<hbm>>
      %dma_start3A_8 = tpu.memref_slice %arg3[%mul3A_2] : memref<8192xi32, #tpu.memory_space<hbm>> -> memref<256xi32, #tpu.memory_space<hbm>>
      tpu.enqueue_dma source(%dma_start3A_8 : memref<256xi32, #tpu.memory_space<hbm>>) target(%arg5 : memref<256xi32, #tpu.memory_space<vmem>>) target_semaphore(%run_scoped3A : memref<!tpu.dma_semaphore, #tpu.memory_space<semaphore_mem>>)
      %dma_wait3A_9 = tpu.memref_slice %arg3[%mul3A_2] : memref<8192xi32, #tpu.memory_space<hbm>> -> memref<256xi32, #tpu.memory_space<hbm>>
      %dma_wait3A_10 = tpu.memref_slice %arg3[%mul3A_2] : memref<8192xi32, #tpu.memory_space<hbm>> -> memref<256xi32, #tpu.memory_space<hbm>>
      tpu.wait_dma2 semaphore(%run_scoped3A : memref<!tpu.dma_semaphore, #tpu.memory_space<semaphore_mem>>) src(%dma_wait3A_10 : memref<256xi32, #tpu.memory_space<hbm>>) dst(%arg5 : memref<256xi32, #tpu.memory_space<vmem>>)
      tpu.yield
    }) : () -> ()
    %dma_start3A = arith.constant 0 : i32
    %dma_start3A_3 = arith.constant 0 : i32
    %dma_start3A_4 = tpu.memref_slice %arg2[%dma_start3A, %dma_start3A_3] : memref<50000x256xf32, #tpu.memory_space<hbm>> -> memref<50000x256xf32, #tpu.memory_space<hbm>>
    tpu.enqueue_indirect_dma source(%dma_start3A_4 : memref<50000x256xf32, #tpu.memory_space<hbm>>) target(%arg6 : memref<256x256xf32, #tpu.memory_space<vmem>>) offsets(%arg5 : memref<256xi32, #tpu.memory_space<vmem>>) semaphore(%arg7 : memref<!tpu.dma_semaphore, #tpu.memory_space<semaphore_mem>>)
    %dma_wait3A = arith.constant 0 : i32
    %dma_wait3A_5 = arith.constant 0 : i32
    %dma_wait3A_6 = tpu.memref_slice %arg2[%dma_wait3A, %dma_wait3A_5] : memref<50000x256xf32, #tpu.memory_space<hbm>> -> memref<50000x256xf32, #tpu.memory_space<hbm>>
    tpu.wait_indirect_dma semaphore(%arg7 : memref<!tpu.dma_semaphore, #tpu.memory_space<semaphore_mem>>) src(%dma_wait3A_6 : memref<50000x256xf32, #tpu.memory_space<hbm>>) dst(%arg6 : memref<256x256xf32, #tpu.memory_space<vmem>>)
    "tpu.region"() ({
      %run_scoped3A = tpu.sem_alloc : memref<!tpu.dma_semaphore, #tpu.memory_space<semaphore_mem>>
      %dma_start3A_7 = arith.constant 0 : i32
      %dma_start3A_8 = tpu.memref_slice %arg4[%mul3A_2, %dma_start3A_7] : memref<8192x256xf32, #tpu.memory_space<hbm>> -> memref<256x256xf32, #tpu.memory_space<hbm>>
      %dma_start3A_9 = arith.constant 0 : i32
      %dma_start3A_10 = tpu.memref_slice %arg4[%mul3A_2, %dma_start3A_9] : memref<8192x256xf32, #tpu.memory_space<hbm>> -> memref<256x256xf32, #tpu.memory_space<hbm>>
      tpu.enqueue_dma source(%arg6 : memref<256x256xf32, #tpu.memory_space<vmem>>) target(%dma_start3A_10 : memref<256x256xf32, #tpu.memory_space<hbm>>) target_semaphore(%run_scoped3A : memref<!tpu.dma_semaphore, #tpu.memory_space<semaphore_mem>>)
      %dma_wait3A_11 = arith.constant 0 : i32
      %dma_wait3A_12 = tpu.memref_slice %arg4[%mul3A_2, %dma_wait3A_11] : memref<8192x256xf32, #tpu.memory_space<hbm>> -> memref<256x256xf32, #tpu.memory_space<hbm>>
      %dma_wait3A_13 = arith.constant 0 : i32
      %dma_wait3A_14 = tpu.memref_slice %arg4[%mul3A_2, %dma_wait3A_13] : memref<8192x256xf32, #tpu.memory_space<hbm>> -> memref<256x256xf32, #tpu.memory_space<hbm>>
      tpu.wait_dma2 semaphore(%run_scoped3A : memref<!tpu.dma_semaphore, #tpu.memory_space<semaphore_mem>>) src(%arg6 : memref<256x256xf32, #tpu.memory_space<vmem>>) dst(%dma_wait3A_14 : memref<256x256xf32, #tpu.memory_space<hbm>>)
      tpu.yield
    }) : () -> ()
    return
  }
}

#map = affine_map<(d0, d1) -> (0, 0)>
#map1 = affine_map<(d0, d1) -> (0)>
module attributes {stable_mosaic.version = 14 : i64} {
  func.func @gather_kernel(%arg0: i32, %arg1: i32, %arg2: memref<50000x256xf32, #tpu.memory_space<hbm>>, %arg3: memref<512xi32, #tpu.memory_space<hbm>>, %arg4: memref<512x256xf32, #tpu.memory_space<hbm>>, %arg5: memref<16xi32, #tpu.memory_space<vmem>>, %arg6: memref<16x256xf32, #tpu.memory_space<vmem>>, %arg7: memref<!tpu.dma_semaphore, #tpu.memory_space<semaphore_mem>>) attributes {dimension_semantics = [#tpu.dimension_semantics<core_parallel>, #tpu.dimension_semantics<subcore_parallel>], iteration_bounds = array<i64: 2, 16>, scalar_prefetch = 0 : i64, scratch_operands = 3 : i64, tpu.core_type = #tpu.core_type<sc_vector_subcore>, window_params = [{transform_indices = #map}, {transform_indices = #map1}, {transform_indices = #map}]} {
    %mul3A = arith.constant 2 : i32
    %mul3A_0 = arith.muli %arg1, %mul3A : i32
    %add3A = arith.addi %mul3A_0, %arg0 : i32
    %mul3A_1 = arith.constant 16 : i32
    %mul3A_2 = arith.muli %add3A, %mul3A_1 : i32
    "tpu.region"() ({
      %run_scoped3A = tpu.sem_alloc : memref<!tpu.dma_semaphore, #tpu.memory_space<semaphore_mem>>
      %dma_start3A_7 = tpu.memref_slice %arg3[%mul3A_2] : memref<512xi32, #tpu.memory_space<hbm>> -> memref<16xi32, #tpu.memory_space<hbm>>
      %dma_start3A_8 = tpu.memref_slice %arg3[%mul3A_2] : memref<512xi32, #tpu.memory_space<hbm>> -> memref<16xi32, #tpu.memory_space<hbm>>
      tpu.enqueue_dma source(%dma_start3A_8 : memref<16xi32, #tpu.memory_space<hbm>>) target(%arg5 : memref<16xi32, #tpu.memory_space<vmem>>) target_semaphore(%run_scoped3A : memref<!tpu.dma_semaphore, #tpu.memory_space<semaphore_mem>>)
      %dma_wait3A_9 = tpu.memref_slice %arg3[%mul3A_2] : memref<512xi32, #tpu.memory_space<hbm>> -> memref<16xi32, #tpu.memory_space<hbm>>
      %dma_wait3A_10 = tpu.memref_slice %arg3[%mul3A_2] : memref<512xi32, #tpu.memory_space<hbm>> -> memref<16xi32, #tpu.memory_space<hbm>>
      tpu.wait_dma2 semaphore(%run_scoped3A : memref<!tpu.dma_semaphore, #tpu.memory_space<semaphore_mem>>) src(%dma_wait3A_10 : memref<16xi32, #tpu.memory_space<hbm>>) dst(%arg5 : memref<16xi32, #tpu.memory_space<vmem>>)
      tpu.yield
    }) : () -> ()
    %dma_start3A = arith.constant 0 : i32
    %dma_start3A_3 = arith.constant 0 : i32
    %dma_start3A_4 = tpu.memref_slice %arg2[%dma_start3A, %dma_start3A_3] : memref<50000x256xf32, #tpu.memory_space<hbm>> -> memref<50000x256xf32, #tpu.memory_space<hbm>>
    tpu.enqueue_indirect_dma source(%dma_start3A_4 : memref<50000x256xf32, #tpu.memory_space<hbm>>) target(%arg6 : memref<16x256xf32, #tpu.memory_space<vmem>>) offsets(%arg5 : memref<16xi32, #tpu.memory_space<vmem>>) semaphore(%arg7 : memref<!tpu.dma_semaphore, #tpu.memory_space<semaphore_mem>>)
    %dma_wait3A = arith.constant 0 : i32
    %dma_wait3A_5 = arith.constant 0 : i32
    %dma_wait3A_6 = tpu.memref_slice %arg2[%dma_wait3A, %dma_wait3A_5] : memref<50000x256xf32, #tpu.memory_space<hbm>> -> memref<50000x256xf32, #tpu.memory_space<hbm>>
    tpu.wait_indirect_dma semaphore(%arg7 : memref<!tpu.dma_semaphore, #tpu.memory_space<semaphore_mem>>) src(%dma_wait3A_6 : memref<50000x256xf32, #tpu.memory_space<hbm>>) dst(%arg6 : memref<16x256xf32, #tpu.memory_space<vmem>>)
    "tpu.region"() ({
      %run_scoped3A = tpu.sem_alloc : memref<!tpu.dma_semaphore, #tpu.memory_space<semaphore_mem>>
      %dma_start3A_7 = arith.constant 0 : i32
      %dma_start3A_8 = tpu.memref_slice %arg4[%mul3A_2, %dma_start3A_7] : memref<512x256xf32, #tpu.memory_space<hbm>> -> memref<16x256xf32, #tpu.memory_space<hbm>>
      %dma_start3A_9 = arith.constant 0 : i32
      %dma_start3A_10 = tpu.memref_slice %arg4[%mul3A_2, %dma_start3A_9] : memref<512x256xf32, #tpu.memory_space<hbm>> -> memref<16x256xf32, #tpu.memory_space<hbm>>
      tpu.enqueue_dma source(%arg6 : memref<16x256xf32, #tpu.memory_space<vmem>>) target(%dma_start3A_10 : memref<16x256xf32, #tpu.memory_space<hbm>>) target_semaphore(%run_scoped3A : memref<!tpu.dma_semaphore, #tpu.memory_space<semaphore_mem>>)
      %dma_wait3A_11 = arith.constant 0 : i32
      %dma_wait3A_12 = tpu.memref_slice %arg4[%mul3A_2, %dma_wait3A_11] : memref<512x256xf32, #tpu.memory_space<hbm>> -> memref<16x256xf32, #tpu.memory_space<hbm>>
      %dma_wait3A_13 = arith.constant 0 : i32
      %dma_wait3A_14 = tpu.memref_slice %arg4[%mul3A_2, %dma_wait3A_13] : memref<512x256xf32, #tpu.memory_space<hbm>> -> memref<16x256xf32, #tpu.memory_space<hbm>>
      tpu.wait_dma2 semaphore(%run_scoped3A : memref<!tpu.dma_semaphore, #tpu.memory_space<semaphore_mem>>) src(%arg6 : memref<16x256xf32, #tpu.memory_space<vmem>>) dst(%dma_wait3A_14 : memref<16x256xf32, #tpu.memory_space<hbm>>)
      tpu.yield
    }) : () -> ()
    return
  }
}

module attributes {stable_mosaic.version = 14 : i64} {
  func.func @_pack_kernel(%arg0: i32, %arg1: memref<2000x141xf32, #tpu.memory_space<vmem>>, %arg2: memref<2000x3xf32, #tpu.memory_space<vmem>>, %arg3: memref<2000x1xf32, #tpu.memory_space<vmem>>, %arg4: memref<2000x256xf32, #tpu.memory_space<vmem>>) attributes {dimension_semantics = [#tpu.dimension_semantics<arbitrary>], iteration_bounds = array<i64: 25>, scalar_prefetch = 0 : i64, scratch_operands = 0 : i64, tpu.core_type = #tpu.core_type<tc>, window_params = [{transform_indices = @transform_0, window_bounds = array<i64: 2000, 141>}, {transform_indices = @transform_1, window_bounds = array<i64: 2000, 3>}, {transform_indices = @transform_2, window_bounds = array<i64: 2000, 1>}, {transform_indices = @transform_3, window_bounds = array<i64: 2000, 256>}]} {
    %get3A = arith.constant 0 : index
    %get3A_0 = arith.constant 0 : index
    %get3A_1 = vector.load %arg1[%get3A, %get3A_0] : memref<2000x141xf32, #tpu.memory_space<vmem>>, vector<2000x141xf32>
    %swap3A = arith.constant 0 : index
    %swap3A_2 = arith.constant 0 : index
    %swap3A_3 = vector.load %arg4[%swap3A, %swap3A_2] : memref<2000x256xf32, #tpu.memory_space<vmem>>, vector<2000x141xf32>
    tpu.vector_store %arg4[%swap3A, %swap3A_2], %get3A_1 {strides = array<i32>} : memref<2000x256xf32, #tpu.memory_space<vmem>>, vector<2000x141xf32>,
    %get3A_4 = arith.constant 0 : index
    %get3A_5 = arith.constant 0 : index
    %get3A_6 = vector.load %arg2[%get3A_4, %get3A_5] : memref<2000x3xf32, #tpu.memory_space<vmem>>, vector<2000x3xf32>
    %swap3A_7 = arith.constant 0 : index
    %swap3A_8 = arith.constant 141 : index
    %swap3A_9 = vector.load %arg4[%swap3A_7, %swap3A_8] : memref<2000x256xf32, #tpu.memory_space<vmem>>, vector<2000x3xf32>
    tpu.vector_store %arg4[%swap3A_7, %swap3A_8], %get3A_6 {strides = array<i32>} : memref<2000x256xf32, #tpu.memory_space<vmem>>, vector<2000x3xf32>,
    %get3A_10 = arith.constant 0 : index
    %get3A_11 = arith.constant 0 : index
    %get3A_12 = vector.load %arg3[%get3A_10, %get3A_11] : memref<2000x1xf32, #tpu.memory_space<vmem>>, vector<2000x1xf32>
    %swap3A_13 = arith.constant 0 : index
    %swap3A_14 = arith.constant 144 : index
    %swap3A_15 = vector.load %arg4[%swap3A_13, %swap3A_14] : memref<2000x256xf32, #tpu.memory_space<vmem>>, vector<2000x1xf32>
    tpu.vector_store %arg4[%swap3A_13, %swap3A_14], %get3A_12 {strides = array<i32>} : memref<2000x256xf32, #tpu.memory_space<vmem>>, vector<2000x1xf32>,
    %broadcast_in_dim3A = arith.constant 0.000000e+00 : f32
    %broadcast_in_dim3A_16 = vector.broadcast %broadcast_in_dim3A : f32 to vector<2000x111xf32>
    %swap3A_17 = arith.constant 0 : index
    %swap3A_18 = arith.constant 145 : index
    %swap3A_19 = vector.load %arg4[%swap3A_17, %swap3A_18] : memref<2000x256xf32, #tpu.memory_space<vmem>>, vector<2000x111xf32>
    tpu.vector_store %arg4[%swap3A_17, %swap3A_18], %broadcast_in_dim3A_16 {strides = array<i32>} : memref<2000x256xf32, #tpu.memory_space<vmem>>, vector<2000x111xf32>,
    return
  }
  func.func @transform_0(%arg0: i32) -> (i32, i32) {
    %c0_i32 = arith.constant 0 : i32
    %c0_i32_0 = arith.constant 0 : i32
    return %arg0, %c0_i32 : i32, i32
  }
  func.func @transform_1(%arg0: i32) -> (i32, i32) {
    %c0_i32 = arith.constant 0 : i32
    %c0_i32_0 = arith.constant 0 : i32
    return %arg0, %c0_i32 : i32, i32
  }
  func.func @transform_2(%arg0: i32) -> (i32, i32) {
    %c0_i32 = arith.constant 0 : i32
    %c0_i32_0 = arith.constant 0 : i32
    return %arg0, %c0_i32 : i32, i32
  }
  func.func @transform_3(%arg0: i32) -> (i32, i32) {
    %c0_i32 = arith.constant 0 : i32
    %c0_i32_0 = arith.constant 0 : i32
    return %arg0, %c0_i32 : i32, i32
  }
}

module attributes {stable_mosaic.version = 14 : i64} {
  func.func @_knn_kernel(%arg0: i32, %arg1: memref<4x2xi32, #tpu.memory_space<smem>>, %arg2: memref<128x3xf32, #tpu.memory_space<vmem>>, %arg3: memref<128x1xf32, #tpu.memory_space<vmem>>, %arg4: memref<128x1xf32, #tpu.memory_space<vmem>>, %arg5: memref<3x50048xf32, #tpu.memory_space<vmem>>, %arg6: memref<1x50048xf32, #tpu.memory_space<vmem>>, %arg7: memref<1x50048xf32, #tpu.memory_space<vmem>>, %arg8: memref<128x16xi32, #tpu.memory_space<vmem>>, %arg9: memref<128x50048xf32, #tpu.memory_space<vmem>>) attributes {dimension_semantics = [#tpu.dimension_semantics<arbitrary>], iteration_bounds = array<i64: 4>, scalar_prefetch = 1 : i64, scratch_operands = 1 : i64, tpu.core_type = #tpu.core_type<tc>, window_params = [{transform_indices = @transform_0, window_bounds = array<i64: 128, 3>}, {transform_indices = @transform_1, window_bounds = array<i64: 128, 1>}, {transform_indices = @transform_2, window_bounds = array<i64: 128, 1>}, {pipeline_mode = #tpu.pipeline_mode<synchronous>, transform_indices = @transform_3, window_bounds = array<i64: 3, 50048>}, {pipeline_mode = #tpu.pipeline_mode<synchronous>, transform_indices = @transform_4, window_bounds = array<i64: 1, 50048>}, {pipeline_mode = #tpu.pipeline_mode<synchronous>, transform_indices = @transform_5, window_bounds = array<i64: 1, 50048>}, {transform_indices = @transform_6, window_bounds = array<i64: 128, 16>}]} {
    %get3A = arith.constant 0 : index
    %get3A_0 = arith.constant 0 : index
    %get3A_1 = vector.load %arg2[%get3A, %get3A_0] : memref<128x3xf32, #tpu.memory_space<vmem>>, vector<128x3xf32>
    %get3A_2 = arith.constant 0 : index
    %get3A_3 = arith.constant 0 : index
    %get3A_4 = vector.load %arg4[%get3A_2, %get3A_3] : memref<128x1xf32, #tpu.memory_space<vmem>>, vector<128x1xf32>
    %get3A_5 = arith.constant 0 : index
    %get3A_6 = arith.constant 0 : index
    %get3A_7 = vector.load %arg3[%get3A_5, %get3A_6] : memref<128x1xf32, #tpu.memory_space<vmem>>, vector<128x1xf32>
    %get3A_8 = arith.index_cast %arg0 : i32 to index
    %get3A_9 = arith.constant 0 : index
    %get3A_10 = memref.load %arg1[%get3A_8, %get3A_9] : memref<4x2xi32, #tpu.memory_space<smem>>
    %get3A_11 = arith.index_cast %arg0 : i32 to index
    %get3A_12 = arith.constant 1 : index
    %get3A_13 = memref.load %arg1[%get3A_11, %get3A_12] : memref<4x2xi32, #tpu.memory_space<smem>>
    %while3A = arith.constant 0 : i32
    %while3A_14 = arith.subi %get3A_13, %get3A_10 : i32
    %while3A_15 = arith.addi %get3A_10, %while3A_14 : i32
    %while3A_16 = arith.constant 1 : i32
    %while3A_17 = arith.divsi %while3A_14, %while3A_16 : i32
    %while3A_18 = arith.muli %while3A_17, %while3A_16 : i32
    %while3A_19 = arith.addi %get3A_10, %while3A_18 : i32
    %while3A_20 = arith.constant 1 : i32
    %while3A_21 = scf.for %while3A_35 = %get3A_10 to %while3A_19 step %while3A_20 iter_args(%while3A_36 = %while3A) -> (i32)  : i32 {
      %mul3A = arith.constant 2944 : i32
      %mul3A_37 = arith.muli %while3A_35, %mul3A : i32
      %get3A_38 = arith.constant 0 : index
      %get3A_39 = arith.index_cast %mul3A_37 : i32 to index
      %get3A_40 = vector.load %arg5[%get3A_38, %get3A_39] : memref<3x50048xf32, #tpu.memory_space<vmem>>, vector<3x2944xf32>
      %slice3A = vector.extract_strided_slice %get3A_1 {offsets = [0, 0], sizes = [128, 1], strides = [1, 1]} : vector<128x3xf32> to vector<128x1xf32>
      %slice3A_41 = vector.extract_strided_slice %get3A_40 {offsets = [0, 0], sizes = [1, 2944], strides = [1, 1]} : vector<3x2944xf32> to vector<1x2944xf32>
      %mul3A_42 = vector.broadcast %slice3A : vector<128x1xf32> to vector<128x2944xf32>
      %mul3A_43 = vector.broadcast %slice3A_41 : vector<1x2944xf32> to vector<128x2944xf32>
      %mul3A_44 = arith.mulf %mul3A_42, %mul3A_43 : vector<128x2944xf32>
      %slice3A_45 = vector.extract_strided_slice %get3A_1 {offsets = [0, 1], sizes = [128, 1], strides = [1, 1]} : vector<128x3xf32> to vector<128x1xf32>
      %slice3A_46 = vector.extract_strided_slice %get3A_40 {offsets = [1, 0], sizes = [1, 2944], strides = [1, 1]} : vector<3x2944xf32> to vector<1x2944xf32>
      %mul3A_47 = vector.broadcast %slice3A_45 : vector<128x1xf32> to vector<128x2944xf32>
      %mul3A_48 = vector.broadcast %slice3A_46 : vector<1x2944xf32> to vector<128x2944xf32>
      %mul3A_49 = arith.mulf %mul3A_47, %mul3A_48 : vector<128x2944xf32>
      %add3A = arith.addf %mul3A_44, %mul3A_49 : vector<128x2944xf32>
      %slice3A_50 = vector.extract_strided_slice %get3A_1 {offsets = [0, 2], sizes = [128, 1], strides = [1, 1]} : vector<128x3xf32> to vector<128x1xf32>
      %slice3A_51 = vector.extract_strided_slice %get3A_40 {offsets = [2, 0], sizes = [1, 2944], strides = [1, 1]} : vector<3x2944xf32> to vector<1x2944xf32>
      %mul3A_52 = vector.broadcast %slice3A_50 : vector<128x1xf32> to vector<128x2944xf32>
      %mul3A_53 = vector.broadcast %slice3A_51 : vector<1x2944xf32> to vector<128x2944xf32>
      %mul3A_54 = arith.mulf %mul3A_52, %mul3A_53 : vector<128x2944xf32>
      %add3A_55 = arith.addf %add3A, %mul3A_54 : vector<128x2944xf32>
      %get3A_56 = arith.constant 0 : index
      %get3A_57 = arith.index_cast %mul3A_37 : i32 to index
      %get3A_58 = vector.load %arg6[%get3A_56, %get3A_57] : memref<1x50048xf32, #tpu.memory_space<vmem>>, vector<1x2944xf32>
      %add3A_59 = vector.broadcast %get3A_7 : vector<128x1xf32> to vector<128x2944xf32>
      %add3A_60 = vector.broadcast %get3A_58 : vector<1x2944xf32> to vector<128x2944xf32>
      %add3A_61 = arith.addf %add3A_59, %add3A_60 : vector<128x2944xf32>
      %mul3A_62 = arith.constant 2.000000e+00 : f32
      %mul3A_63 = vector.broadcast %mul3A_62 : f32 to vector<128x2944xf32>
      %mul3A_64 = arith.mulf %mul3A_63, %add3A_55 : vector<128x2944xf32>
      %sub3A = arith.subf %add3A_61, %mul3A_64 : vector<128x2944xf32>
      %get3A_65 = arith.constant 0 : index
      %get3A_66 = arith.index_cast %mul3A_37 : i32 to index
      %get3A_67 = vector.load %arg7[%get3A_65, %get3A_66] : memref<1x50048xf32, #tpu.memory_space<vmem>>, vector<1x2944xf32>
      %eq3A = vector.broadcast %get3A_4 : vector<128x1xf32> to vector<128x2944xf32>
      %eq3A_68 = vector.broadcast %get3A_67 : vector<1x2944xf32> to vector<128x2944xf32>
      %eq3A_69 = arith.cmpf oeq, %eq3A, %eq3A_68 : vector<128x2944xf32>
      %jit3A = arith.constant 0x7F800000 : f32
      %broadcast_in_dim3A_70 = vector.broadcast %jit3A : f32 to vector<128x2944xf32>
      %select_n3A = arith.select %eq3A_69, %sub3A, %broadcast_in_dim3A_70 : vector<128x2944xi1>, vector<128x2944xf32>
      %swap3A_71 = arith.constant 0 : index
      %swap3A_72 = arith.index_cast %mul3A_37 : i32 to index
      %swap3A_73 = vector.load %arg9[%swap3A_71, %swap3A_72] : memref<128x50048xf32, #tpu.memory_space<vmem>>, vector<128x2944xf32>
      tpu.vector_store %arg9[%swap3A_71, %swap3A_72], %select_n3A {strides = array<i32>} : memref<128x50048xf32, #tpu.memory_space<vmem>>, vector<128x2944xf32>,
      %while3A_74 = arith.constant 0 : i32
      scf.yield %while3A_74 : i32
    }
    %while3A_22 = arith.constant 1 : i32
    %while3A_23 = scf.for %while3A_35 = %while3A_19 to %while3A_15 step %while3A_22 iter_args(%while3A_36 = %while3A_21) -> (i32)  : i32 {
      %mul3A = arith.constant 2944 : i32
      %mul3A_37 = arith.muli %while3A_35, %mul3A : i32
      %get3A_38 = arith.constant 0 : index
      %get3A_39 = arith.index_cast %mul3A_37 : i32 to index
      %get3A_40 = vector.load %arg5[%get3A_38, %get3A_39] : memref<3x50048xf32, #tpu.memory_space<vmem>>, vector<3x2944xf32>
      %slice3A = vector.extract_strided_slice %get3A_1 {offsets = [0, 0], sizes = [128, 1], strides = [1, 1]} : vector<128x3xf32> to vector<128x1xf32>
      %slice3A_41 = vector.extract_strided_slice %get3A_40 {offsets = [0, 0], sizes = [1, 2944], strides = [1, 1]} : vector<3x2944xf32> to vector<1x2944xf32>
      %mul3A_42 = vector.broadcast %slice3A : vector<128x1xf32> to vector<128x2944xf32>
      %mul3A_43 = vector.broadcast %slice3A_41 : vector<1x2944xf32> to vector<128x2944xf32>
      %mul3A_44 = arith.mulf %mul3A_42, %mul3A_43 : vector<128x2944xf32>
      %slice3A_45 = vector.extract_strided_slice %get3A_1 {offsets = [0, 1], sizes = [128, 1], strides = [1, 1]} : vector<128x3xf32> to vector<128x1xf32>
      %slice3A_46 = vector.extract_strided_slice %get3A_40 {offsets = [1, 0], sizes = [1, 2944], strides = [1, 1]} : vector<3x2944xf32> to vector<1x2944xf32>
      %mul3A_47 = vector.broadcast %slice3A_45 : vector<128x1xf32> to vector<128x2944xf32>
      %mul3A_48 = vector.broadcast %slice3A_46 : vector<1x2944xf32> to vector<128x2944xf32>
      %mul3A_49 = arith.mulf %mul3A_47, %mul3A_48 : vector<128x2944xf32>
      %add3A = arith.addf %mul3A_44, %mul3A_49 : vector<128x2944xf32>
      %slice3A_50 = vector.extract_strided_slice %get3A_1 {offsets = [0, 2], sizes = [128, 1], strides = [1, 1]} : vector<128x3xf32> to vector<128x1xf32>
      %slice3A_51 = vector.extract_strided_slice %get3A_40 {offsets = [2, 0], sizes = [1, 2944], strides = [1, 1]} : vector<3x2944xf32> to vector<1x2944xf32>
      %mul3A_52 = vector.broadcast %slice3A_50 : vector<128x1xf32> to vector<128x2944xf32>
      %mul3A_53 = vector.broadcast %slice3A_51 : vector<1x2944xf32> to vector<128x2944xf32>
      %mul3A_54 = arith.mulf %mul3A_52, %mul3A_53 : vector<128x2944xf32>
      %add3A_55 = arith.addf %add3A, %mul3A_54 : vector<128x2944xf32>
      %get3A_56 = arith.constant 0 : index
      %get3A_57 = arith.index_cast %mul3A_37 : i32 to index
      %get3A_58 = vector.load %arg6[%get3A_56, %get3A_57] : memref<1x50048xf32, #tpu.memory_space<vmem>>, vector<1x2944xf32>
      %add3A_59 = vector.broadcast %get3A_7 : vector<128x1xf32> to vector<128x2944xf32>
      %add3A_60 = vector.broadcast %get3A_58 : vector<1x2944xf32> to vector<128x2944xf32>
      %add3A_61 = arith.addf %add3A_59, %add3A_60 : vector<128x2944xf32>
      %mul3A_62 = arith.constant 2.000000e+00 : f32
      %mul3A_63 = vector.broadcast %mul3A_62 : f32 to vector<128x2944xf32>
      %mul3A_64 = arith.mulf %mul3A_63, %add3A_55 : vector<128x2944xf32>
      %sub3A = arith.subf %add3A_61, %mul3A_64 : vector<128x2944xf32>
      %get3A_65 = arith.constant 0 : index
      %get3A_66 = arith.index_cast %mul3A_37 : i32 to index
      %get3A_67 = vector.load %arg7[%get3A_65, %get3A_66] : memref<1x50048xf32, #tpu.memory_space<vmem>>, vector<1x2944xf32>
      %eq3A = vector.broadcast %get3A_4 : vector<128x1xf32> to vector<128x2944xf32>
      %eq3A_68 = vector.broadcast %get3A_67 : vector<1x2944xf32> to vector<128x2944xf32>
      %eq3A_69 = arith.cmpf oeq, %eq3A, %eq3A_68 : vector<128x2944xf32>
      %jit3A = arith.constant 0x7F800000 : f32
      %broadcast_in_dim3A_70 = vector.broadcast %jit3A : f32 to vector<128x2944xf32>
      %select_n3A = arith.select %eq3A_69, %sub3A, %broadcast_in_dim3A_70 : vector<128x2944xi1>, vector<128x2944xf32>
      %swap3A_71 = arith.constant 0 : index
      %swap3A_72 = arith.index_cast %mul3A_37 : i32 to index
      %swap3A_73 = vector.load %arg9[%swap3A_71, %swap3A_72] : memref<128x50048xf32, #tpu.memory_space<vmem>>, vector<128x2944xf32>
      tpu.vector_store %arg9[%swap3A_71, %swap3A_72], %select_n3A {strides = array<i32>} : memref<128x50048xf32, #tpu.memory_space<vmem>>, vector<128x2944xf32>,
      %while3A_74 = arith.constant 0 : i32
      scf.yield %while3A_74 : i32
    }
    %iota3A = tpu.iota {dimensions = array<i32: 1>} : vector<128x2944xi32>
    %iota3A_24 = tpu.iota {dimensions = array<i32: 1>} : vector<128x16xi32>
    %broadcast_in_dim3A = arith.constant -1 : i32
    %broadcast_in_dim3A_25 = vector.broadcast %broadcast_in_dim3A : i32 to vector<128x1xi32>
    %broadcast_in_dim3A_26 = arith.constant 0 : i32
    %broadcast_in_dim3A_27 = vector.broadcast %broadcast_in_dim3A_26 : i32 to vector<128x16xi32>
    %scan3A = arith.constant 0 : i32
    %scan3A_28 = arith.constant 16 : i32
    %scan3A_29 = arith.addi %scan3A, %scan3A_28 : i32
    %scan3A_30 = arith.constant 1 : i32
    %scan3A_31:2 = scf.for %scan3A_35 = %scan3A to %scan3A_29 step %scan3A_30 iter_args(%scan3A_36 = %broadcast_in_dim3A_25, %scan3A_37 = %broadcast_in_dim3A_27) -> (vector<128x1xi32>, vector<128x16xi32>)  : i32 {
      %broadcast_in_dim3A_38 = arith.constant 0x7F800000 : f32
      %broadcast_in_dim3A_39 = vector.broadcast %broadcast_in_dim3A_38 : f32 to vector<128x1xf32>
      %broadcast_in_dim3A_40 = arith.constant 50048 : i32
      %broadcast_in_dim3A_41 = vector.broadcast %broadcast_in_dim3A_40 : i32 to vector<128x1xi32>
      %while3A_42 = arith.subi %get3A_13, %get3A_10 : i32
      %while3A_43 = arith.addi %get3A_10, %while3A_42 : i32
      %while3A_44 = arith.constant 1 : i32
      %while3A_45 = arith.divsi %while3A_42, %while3A_44 : i32
      %while3A_46 = arith.muli %while3A_45, %while3A_44 : i32
      %while3A_47 = arith.addi %get3A_10, %while3A_46 : i32
      %while3A_48 = arith.constant 1 : i32
      %while3A_49:2 = scf.for %while3A_55 = %get3A_10 to %while3A_47 step %while3A_48 iter_args(%while3A_56 = %broadcast_in_dim3A_39, %while3A_57 = %broadcast_in_dim3A_41) -> (vector<128x1xf32>, vector<128x1xi32>)  : i32 {
        %mul3A = arith.constant 2944 : i32
        %mul3A_58 = arith.muli %while3A_55, %mul3A : i32
        %add3A = vector.broadcast %mul3A_58 : i32 to vector<128x2944xi32>
        %add3A_59 = arith.addi %iota3A, %add3A : vector<128x2944xi32>
        %get3A_60 = arith.constant 0 : index
        %get3A_61 = arith.index_cast %mul3A_58 : i32 to index
        %get3A_62 = vector.load %arg9[%get3A_60, %get3A_61] : memref<128x50048xf32, #tpu.memory_space<vmem>>, vector<128x2944xf32>
        %eq3A_63 = vector.broadcast %scan3A_36 : vector<128x1xi32> to vector<128x2944xi32>
        %eq3A_64 = arith.cmpi eq, %add3A_59, %eq3A_63 : vector<128x2944xi32>
        %jit3A = arith.constant 0x7F800000 : f32
        %broadcast_in_dim3A_65 = vector.broadcast %jit3A : f32 to vector<128x2944xf32>
        %select_n3A_66 = arith.select %eq3A_64, %broadcast_in_dim3A_65, %get3A_62 : vector<128x2944xi1>, vector<128x2944xf32>
        %swap3A_67 = arith.constant 0 : index
        %swap3A_68 = arith.index_cast %mul3A_58 : i32 to index
        %swap3A_69 = vector.load %arg9[%swap3A_67, %swap3A_68] : memref<128x50048xf32, #tpu.memory_space<vmem>>, vector<128x2944xf32>
        tpu.vector_store %arg9[%swap3A_67, %swap3A_68], %select_n3A_66 {strides = array<i32>} : memref<128x50048xf32, #tpu.memory_space<vmem>>, vector<128x2944xf32>,
        %reduce_min3A = arith.constant dense<0x7F800000> : vector<128xf32>
        %reduce_min3A_70 = vector.multi_reduction <minimumf>, %select_n3A_66, %reduce_min3A [1] : vector<128x2944xf32> to vector<128xf32>
        %broadcast_in_dim3A_71 = vector.shape_cast %reduce_min3A_70 : vector<128xf32> to vector<128x1xf32>
        %eq3A_72 = vector.broadcast %broadcast_in_dim3A_71 : vector<128x1xf32> to vector<128x2944xf32>
        %eq3A_73 = arith.cmpf oeq, %select_n3A_66, %eq3A_72 : vector<128x2944xf32>
        %jit3A_74 = arith.constant 50048 : i32
        %broadcast_in_dim3A_75 = vector.broadcast %jit3A_74 : i32 to vector<128x2944xi32>
        %select_n3A_76 = arith.select %eq3A_73, %add3A_59, %broadcast_in_dim3A_75 : vector<128x2944xi1>, vector<128x2944xi32>
        %reduce_min3A_77 = arith.constant dense<2147483647> : vector<128xi32>
        %reduce_min3A_78 = vector.multi_reduction <minsi>, %select_n3A_76, %reduce_min3A_77 [1] : vector<128x2944xi32> to vector<128xi32>
        %broadcast_in_dim3A_79 = vector.shape_cast %reduce_min3A_78 : vector<128xi32> to vector<128x1xi32>
        %lt3A = arith.cmpf olt, %broadcast_in_dim3A_71, %while3A_56 : vector<128x1xf32>
        %eq3A_80 = arith.cmpf oeq, %broadcast_in_dim3A_71, %while3A_56 : vector<128x1xf32>
        %lt3A_81 = arith.cmpi slt, %broadcast_in_dim3A_79, %while3A_57 : vector<128x1xi32>
        %and3A = arith.andi %eq3A_80, %lt3A_81 : vector<128x1xi1>
        %or3A = arith.ori %lt3A, %and3A : vector<128x1xi1>
        %select_n3A_82 = arith.select %or3A, %broadcast_in_dim3A_71, %while3A_56 : vector<128x1xi1>, vector<128x1xf32>
        %select_n3A_83 = arith.select %or3A, %broadcast_in_dim3A_79, %while3A_57 : vector<128x1xi1>, vector<128x1xi32>
        scf.yield %select_n3A_82, %select_n3A_83 : vector<128x1xf32>, vector<128x1xi32>
      }
      %while3A_50 = arith.constant 1 : i32
      %while3A_51:2 = scf.for %while3A_55 = %while3A_47 to %while3A_43 step %while3A_50 iter_args(%while3A_56 = %while3A_49#0, %while3A_57 = %while3A_49#1) -> (vector<128x1xf32>, vector<128x1xi32>)  : i32 {
        %mul3A = arith.constant 2944 : i32
        %mul3A_58 = arith.muli %while3A_55, %mul3A : i32
        %add3A = vector.broadcast %mul3A_58 : i32 to vector<128x2944xi32>
        %add3A_59 = arith.addi %iota3A, %add3A : vector<128x2944xi32>
        %get3A_60 = arith.constant 0 : index
        %get3A_61 = arith.index_cast %mul3A_58 : i32 to index
        %get3A_62 = vector.load %arg9[%get3A_60, %get3A_61] : memref<128x50048xf32, #tpu.memory_space<vmem>>, vector<128x2944xf32>
        %eq3A_63 = vector.broadcast %scan3A_36 : vector<128x1xi32> to vector<128x2944xi32>
        %eq3A_64 = arith.cmpi eq, %add3A_59, %eq3A_63 : vector<128x2944xi32>
        %jit3A = arith.constant 0x7F800000 : f32
        %broadcast_in_dim3A_65 = vector.broadcast %jit3A : f32 to vector<128x2944xf32>
        %select_n3A_66 = arith.select %eq3A_64, %broadcast_in_dim3A_65, %get3A_62 : vector<128x2944xi1>, vector<128x2944xf32>
        %swap3A_67 = arith.constant 0 : index
        %swap3A_68 = arith.index_cast %mul3A_58 : i32 to index
        %swap3A_69 = vector.load %arg9[%swap3A_67, %swap3A_68] : memref<128x50048xf32, #tpu.memory_space<vmem>>, vector<128x2944xf32>
        tpu.vector_store %arg9[%swap3A_67, %swap3A_68], %select_n3A_66 {strides = array<i32>} : memref<128x50048xf32, #tpu.memory_space<vmem>>, vector<128x2944xf32>,
        %reduce_min3A = arith.constant dense<0x7F800000> : vector<128xf32>
        %reduce_min3A_70 = vector.multi_reduction <minimumf>, %select_n3A_66, %reduce_min3A [1] : vector<128x2944xf32> to vector<128xf32>
        %broadcast_in_dim3A_71 = vector.shape_cast %reduce_min3A_70 : vector<128xf32> to vector<128x1xf32>
        %eq3A_72 = vector.broadcast %broadcast_in_dim3A_71 : vector<128x1xf32> to vector<128x2944xf32>
        %eq3A_73 = arith.cmpf oeq, %select_n3A_66, %eq3A_72 : vector<128x2944xf32>
        %jit3A_74 = arith.constant 50048 : i32
        %broadcast_in_dim3A_75 = vector.broadcast %jit3A_74 : i32 to vector<128x2944xi32>
        %select_n3A_76 = arith.select %eq3A_73, %add3A_59, %broadcast_in_dim3A_75 : vector<128x2944xi1>, vector<128x2944xi32>
        %reduce_min3A_77 = arith.constant dense<2147483647> : vector<128xi32>
        %reduce_min3A_78 = vector.multi_reduction <minsi>, %select_n3A_76, %reduce_min3A_77 [1] : vector<128x2944xi32> to vector<128xi32>
        %broadcast_in_dim3A_79 = vector.shape_cast %reduce_min3A_78 : vector<128xi32> to vector<128x1xi32>
        %lt3A = arith.cmpf olt, %broadcast_in_dim3A_71, %while3A_56 : vector<128x1xf32>
        %eq3A_80 = arith.cmpf oeq, %broadcast_in_dim3A_71, %while3A_56 : vector<128x1xf32>
        %lt3A_81 = arith.cmpi slt, %broadcast_in_dim3A_79, %while3A_57 : vector<128x1xi32>
        %and3A = arith.andi %eq3A_80, %lt3A_81 : vector<128x1xi1>
        %or3A = arith.ori %lt3A, %and3A : vector<128x1xi1>
        %select_n3A_82 = arith.select %or3A, %broadcast_in_dim3A_71, %while3A_56 : vector<128x1xi1>, vector<128x1xf32>
        %select_n3A_83 = arith.select %or3A, %broadcast_in_dim3A_79, %while3A_57 : vector<128x1xi1>, vector<128x1xi32>
        scf.yield %select_n3A_82, %select_n3A_83 : vector<128x1xf32>, vector<128x1xi32>
      }
      %eq3A = vector.broadcast %scan3A_35 : i32 to vector<128x16xi32>
      %eq3A_52 = arith.cmpi eq, %iota3A_24, %eq3A : vector<128x16xi32>
      %broadcast_in_dim3A_53 = vector.shape_cast %while3A_51#1 : vector<128x1xi32> to vector<128x1xi32>
      %broadcast_in_dim3A_54 = vector.broadcast %broadcast_in_dim3A_53 : vector<128x1xi32> to vector<128x16xi32>
      %select_n3A = arith.select %eq3A_52, %broadcast_in_dim3A_54, %scan3A_37 : vector<128x16xi1>, vector<128x16xi32>
      scf.yield %while3A_51#1, %select_n3A : vector<128x1xi32>, vector<128x16xi32>
    }
    %scan3A_32 = arith.constant 16 : i32
    %swap3A = arith.constant 0 : index
    %swap3A_33 = arith.constant 0 : index
    %swap3A_34 = vector.load %arg8[%swap3A, %swap3A_33] : memref<128x16xi32, #tpu.memory_space<vmem>>, vector<128x16xi32>
    tpu.vector_store %arg8[%swap3A, %swap3A_33], %scan3A_31#1 {strides = array<i32>} : memref<128x16xi32, #tpu.memory_space<vmem>>, vector<128x16xi32>,
    return
  }
  func.func @transform_0(%arg0: i32, %arg1: memref<4x2xi32, #tpu.memory_space<smem>>) -> (i32, i32) {
    %c0_i32 = arith.constant 0 : i32
    %c0_i32_0 = arith.constant 0 : i32
    return %arg0, %c0_i32 : i32, i32
  }
  func.func @transform_1(%arg0: i32, %arg1: memref<4x2xi32, #tpu.memory_space<smem>>) -> (i32, i32) {
    %c0_i32 = arith.constant 0 : i32
    %c0_i32_0 = arith.constant 0 : i32
    return %arg0, %c0_i32 : i32, i32
  }
  func.func @transform_2(%arg0: i32, %arg1: memref<4x2xi32, #tpu.memory_space<smem>>) -> (i32, i32) {
    %c0_i32 = arith.constant 0 : i32
    %c0_i32_0 = arith.constant 0 : i32
    return %arg0, %c0_i32 : i32, i32
  }
  func.func @transform_3(%arg0: i32, %arg1: memref<4x2xi32, #tpu.memory_space<smem>>) -> (i32, i32) {
    %c0_i32 = arith.constant 0 : i32
    %c0_i32_0 = arith.constant 0 : i32
    %c0_i32_1 = arith.constant 0 : i32
    return %c0_i32, %c0_i32_0 : i32, i32
  }
  func.func @transform_4(%arg0: i32, %arg1: memref<4x2xi32, #tpu.memory_space<smem>>) -> (i32, i32) {
    %c0_i32 = arith.constant 0 : i32
    %c0_i32_0 = arith.constant 0 : i32
    %c0_i32_1 = arith.constant 0 : i32
    return %c0_i32, %c0_i32_0 : i32, i32
  }
  func.func @transform_5(%arg0: i32, %arg1: memref<4x2xi32, #tpu.memory_space<smem>>) -> (i32, i32) {
    %c0_i32 = arith.constant 0 : i32
    %c0_i32_0 = arith.constant 0 : i32
    %c0_i32_1 = arith.constant 0 : i32
    return %c0_i32, %c0_i32_0 : i32, i32
  }
  func.func @transform_6(%arg0: i32, %arg1: memref<4x2xi32, #tpu.memory_space<smem>>) -> (i32, i32) {
    %c0_i32 = arith.constant 0 : i32
    %c0_i32_0 = arith.constant 0 : i32
    return %arg0, %c0_i32 : i32, i32
  }
}

module attributes {stable_mosaic.version = 14 : i64} {
  func.func @_affinity_kernel(%arg0: memref<8192x256xf32, #tpu.memory_space<vmem>>, %arg1: memref<512x3xf32, #tpu.memory_space<vmem>>, %arg2: memref<8192x384xf32, #tpu.memory_space<vmem>>, %arg3: memref<10x64xf32, #tpu.memory_space<vmem>>, %arg4: memref<1x64xf32, #tpu.memory_space<vmem>>, %arg5: memref<64x128xf32, #tpu.memory_space<vmem>>, %arg6: memref<1x128xf32, #tpu.memory_space<vmem>>, %arg7: memref<13x128xf32, #tpu.memory_space<vmem>>, %arg8: memref<1x128xf32, #tpu.memory_space<vmem>>, %arg9: memref<512x1xf32, #tpu.memory_space<vmem>>, %arg10: memref<8192x16xf32, #tpu.memory_space<vmem>>) attributes {dimension_semantics = [], scalar_prefetch = 0 : i64, scratch_operands = 1 : i64, tpu.core_type = #tpu.core_type<tc>} {
    %get3A = arith.constant 0 : index
    %get3A_0 = arith.constant 0 : index
    %get3A_1 = vector.load %arg3[%get3A, %get3A_0] : memref<10x64xf32, #tpu.memory_space<vmem>>, vector<10x64xf32>
    %get3A_2 = arith.constant 0 : index
    %get3A_3 = arith.constant 0 : index
    %get3A_4 = vector.load %arg4[%get3A_2, %get3A_3] : memref<1x64xf32, #tpu.memory_space<vmem>>, vector<1x64xf32>
    %get3A_5 = arith.constant 0 : index
    %get3A_6 = arith.constant 0 : index
    %get3A_7 = vector.load %arg5[%get3A_5, %get3A_6] : memref<64x128xf32, #tpu.memory_space<vmem>>, vector<64x128xf32>
    %get3A_8 = arith.constant 0 : index
    %get3A_9 = arith.constant 0 : index
    %get3A_10 = vector.load %arg6[%get3A_8, %get3A_9] : memref<1x128xf32, #tpu.memory_space<vmem>>, vector<1x128xf32>
    %get3A_11 = arith.constant 0 : index
    %get3A_12 = arith.constant 0 : index
    %get3A_13 = vector.load %arg7[%get3A_11, %get3A_12] : memref<13x128xf32, #tpu.memory_space<vmem>>, vector<13x128xf32>
    %get3A_14 = arith.constant 0 : index
    %get3A_15 = arith.constant 0 : index
    %get3A_16 = vector.load %arg8[%get3A_14, %get3A_15] : memref<1x128xf32, #tpu.memory_space<vmem>>, vector<1x128xf32>
    %iota3A = tpu.iota {dimensions = array<i32: 0>} : vector<256x1xi32>
    %jit3A = arith.constant 16 : i32
    %div3A = vector.broadcast %jit3A : i32 to vector<256x1xi32>
    %div3A_17 = arith.divsi %iota3A, %div3A : vector<256x1xi32>
    %sign3A = arith.constant 0 : i32
    %sign3A_18 = vector.broadcast %sign3A : i32 to vector<256x1xi32>
    %sign3A_19 = arith.cmpi sgt, %iota3A, %sign3A_18 : vector<256x1xi32>
    %sign3A_20 = arith.extui %sign3A_19 : vector<256x1xi1> to vector<256x1xi32>
    %sign3A_21 = arith.constant 0 : i32
    %sign3A_22 = vector.broadcast %sign3A_21 : i32 to vector<256x1xi32>
    %sign3A_23 = arith.cmpi slt, %iota3A, %sign3A_22 : vector<256x1xi32>
    %sign3A_24 = arith.extui %sign3A_23 : vector<256x1xi1> to vector<256x1xi32>
    %sign3A_25 = arith.subi %sign3A_20, %sign3A_24 : vector<256x1xi32>
    %sign3A_26 = arith.constant 0 : i32
    %sign3A_27 = arith.cmpi sgt, %jit3A, %sign3A_26 : i32
    %sign3A_28 = arith.extui %sign3A_27 : i1 to i32
    %sign3A_29 = arith.constant 0 : i32
    %sign3A_30 = arith.cmpi slt, %jit3A, %sign3A_29 : i32
    %sign3A_31 = arith.extui %sign3A_30 : i1 to i32
    %sign3A_32 = arith.subi %sign3A_28, %sign3A_31 : i32
    %ne3A = vector.broadcast %sign3A_32 : i32 to vector<256x1xi32>
    %ne3A_33 = arith.cmpi ne, %sign3A_25, %ne3A : vector<256x1xi32>
    %rem3A = vector.broadcast %jit3A : i32 to vector<256x1xi32>
    %rem3A_34 = arith.remsi %iota3A, %rem3A : vector<256x1xi32>
    %ne3A_35 = arith.constant 0 : i32
    %ne3A_36 = vector.broadcast %ne3A_35 : i32 to vector<256x1xi32>
    %ne3A_37 = arith.cmpi ne, %rem3A_34, %ne3A_36 : vector<256x1xi32>
    %and3A = arith.andi %ne3A_33, %ne3A_37 : vector<256x1xi1>
    %sub3A = arith.constant 1 : i32
    %sub3A_38 = vector.broadcast %sub3A : i32 to vector<256x1xi32>
    %sub3A_39 = arith.subi %div3A_17, %sub3A_38 : vector<256x1xi32>
    %select_n3A = arith.select %and3A, %sub3A_39, %div3A_17 : vector<256x1xi1>, vector<256x1xi32>
    %scan3A = arith.constant 0 : i32
    %scan3A_40 = arith.constant 32 : i32
    %scan3A_41 = arith.addi %scan3A, %scan3A_40 : i32
    %scan3A_42 = arith.constant 1 : i32
    scf.for %scan3A_73 = %scan3A to %scan3A_41 step %scan3A_42  : i32 {
      %mul3A = arith.constant 256 : i32
      %mul3A_74 = arith.muli %scan3A_73, %mul3A : i32
      %get3A_75 = arith.index_cast %mul3A_74 : i32 to index
      %get3A_76 = arith.constant 0 : index
      %get3A_77 = vector.load %arg0[%get3A_75, %get3A_76] : memref<8192x256xf32, #tpu.memory_space<vmem>>, vector<256x256xf32>
      %get3A_78 = arith.index_cast %mul3A_74 : i32 to index
      %get3A_79 = arith.constant 0 : index
      %get3A_80 = vector.load %arg2[%get3A_78, %get3A_79] : memref<8192x384xf32, #tpu.memory_space<vmem>>, vector<256x384xf32>
      %slice3A = vector.extract_strided_slice %get3A_77 {offsets = [0, 0], sizes = [256, 128], strides = [1, 1]} : vector<256x256xf32> to vector<256x128xf32>
      %slice3A_81 = vector.extract_strided_slice %get3A_77 {offsets = [0, 128], sizes = [256, 13], strides = [1, 1]} : vector<256x256xf32> to vector<256x13xf32>
      %slice3A_82 = vector.extract_strided_slice %get3A_77 {offsets = [0, 141], sizes = [256, 3], strides = [1, 1]} : vector<256x256xf32> to vector<256x3xf32>
      %mul3A_83 = arith.constant 16 : i32
      %mul3A_84 = arith.muli %scan3A_73, %mul3A_83 : i32
      %get3A_85 = arith.index_cast %mul3A_84 : i32 to index
      %get3A_86 = arith.constant 0 : index
      %get3A_87 = vector.load %arg1[%get3A_85, %get3A_86] : memref<512x3xf32, #tpu.memory_space<vmem>>, vector<16x3xf32>
      %reshape3A_88 = vector.shape_cast %get3A_87 : vector<16x3xf32> to vector<16x1x3xf32>
      %broadcast_in_dim3A_89 = vector.shape_cast %reshape3A_88 : vector<16x1x3xf32> to vector<16x1x3xf32>
      %broadcast_in_dim3A_90 = vector.broadcast %broadcast_in_dim3A_89 : vector<16x1x3xf32> to vector<16x16x3xf32>
      %reshape3A_91 = vector.shape_cast %broadcast_in_dim3A_90 : vector<16x16x3xf32> to vector<256x3xf32>
      %sub3A_92 = arith.subf %reshape3A_91, %slice3A_82 : vector<256x3xf32>
      %mul3A_93 = arith.mulf %sub3A_92, %sub3A_92 : vector<256x3xf32>
      %reduce_sum3A_94 = arith.constant dense<0.000000e+00> : vector<256xf32>
      %reduce_sum3A_95 = vector.multi_reduction <add>, %mul3A_93, %reduce_sum3A_94 [1] : vector<256x3xf32> to vector<256xf32>
      %broadcast_in_dim3A_96 = vector.shape_cast %reduce_sum3A_95 : vector<256xf32> to vector<256x1xf32>
      %sqrt3A = math.sqrt %broadcast_in_dim3A_96 : vector<256x1xf32>
      %concatenate3A = tpu.concatenate %reshape3A_91, %slice3A_82, %sub3A_92, %sqrt3A in 1 : vector<256x3xf32>, vector<256x3xf32>, vector<256x3xf32>, vector<256x1xf32> -> vector<256x10xf32>
      %convert_element_type3A = arith.truncf %concatenate3A : vector<256x10xf32> to vector<256x10xbf16>
      %convert_element_type3A_97 = arith.truncf %get3A_1 : vector<10x64xf32> to vector<10x64xbf16>
      %dot_general3A = arith.constant dense<0.000000e+00> : vector<256x64xf32>
      %dot_general3A_98 = tpu.matmul %convert_element_type3A, %convert_element_type3A_97, %dot_general3A {dimension_numbers = #tpu.dot_dimension_numbers<[1], [0], [0], [1], [0, 0, 1, 1], [], []>, transpose_lhs_hint = false} : vector<256x10xbf16>, vector<10x64xbf16>, vector<256x64xf32> -> vector<256x64xf32>
      %add3A = vector.broadcast %get3A_4 : vector<1x64xf32> to vector<256x64xf32>
      %add3A_99 = arith.addf %dot_general3A_98, %add3A : vector<256x64xf32>
      %max3A_100 = arith.constant 0.000000e+00 : f32
      %max3A_101 = vector.broadcast %max3A_100 : f32 to vector<256x64xf32>
      %max3A_102 = arith.maximumf %add3A_99, %max3A_101 : vector<256x64xf32>
      %convert_element_type3A_103 = arith.truncf %max3A_102 : vector<256x64xf32> to vector<256x64xbf16>
      %convert_element_type3A_104 = arith.truncf %get3A_7 : vector<64x128xf32> to vector<64x128xbf16>
      %dot_general3A_105 = arith.constant dense<0.000000e+00> : vector<256x128xf32>
      %dot_general3A_106 = tpu.matmul %convert_element_type3A_103, %convert_element_type3A_104, %dot_general3A_105 {dimension_numbers = #tpu.dot_dimension_numbers<[1], [0], [0], [1], [0, 0, 1, 1], [], []>, transpose_lhs_hint = false} : vector<256x64xbf16>, vector<64x128xbf16>, vector<256x128xf32> -> vector<256x128xf32>
      %add3A_107 = vector.broadcast %get3A_10 : vector<1x128xf32> to vector<256x128xf32>
      %add3A_108 = arith.addf %dot_general3A_106, %add3A_107 : vector<256x128xf32>
      %convert_element_type3A_109 = arith.truncf %slice3A_81 : vector<256x13xf32> to vector<256x13xbf16>
      %convert_element_type3A_110 = arith.truncf %get3A_13 : vector<13x128xf32> to vector<13x128xbf16>
      %dot_general3A_111 = arith.constant dense<0.000000e+00> : vector<256x128xf32>
      %dot_general3A_112 = tpu.matmul %convert_element_type3A_109, %convert_element_type3A_110, %dot_general3A_111 {dimension_numbers = #tpu.dot_dimension_numbers<[1], [0], [0], [1], [0, 0, 1, 1], [], []>, transpose_lhs_hint = false} : vector<256x13xbf16>, vector<13x128xbf16>, vector<256x128xf32> -> vector<256x128xf32>
      %add3A_113 = vector.broadcast %get3A_16 : vector<1x128xf32> to vector<256x128xf32>
      %add3A_114 = arith.addf %dot_general3A_112, %add3A_113 : vector<256x128xf32>
      %slice3A_115 = vector.extract_strided_slice %get3A_80 {offsets = [0, 0], sizes = [256, 128], strides = [1, 1]} : vector<256x384xf32> to vector<256x128xf32>
      %slice3A_116 = vector.extract_strided_slice %get3A_80 {offsets = [0, 128], sizes = [256, 128], strides = [1, 1]} : vector<256x384xf32> to vector<256x128xf32>
      %slice3A_117 = vector.extract_strided_slice %get3A_80 {offsets = [0, 256], sizes = [256, 128], strides = [1, 1]} : vector<256x384xf32> to vector<256x128xf32>
      %convert_element_type3A_118 = arith.truncf %slice3A_115 : vector<256x128xf32> to vector<256x128xbf16>
      %convert_element_type3A_119 = arith.truncf %add3A_108 : vector<256x128xf32> to vector<256x128xbf16>
      %dot_general3A_120 = arith.constant dense<0.000000e+00> : vector<256x256xf32>
      %dot_general3A_121 = tpu.matmul %convert_element_type3A_118, %convert_element_type3A_119, %dot_general3A_120 {dimension_numbers = #tpu.dot_dimension_numbers<[1], [1], [0], [0], [0, 0, 1, 0], [], []>, transpose_lhs_hint = false} : vector<256x128xbf16>, vector<256x128xbf16>, vector<256x256xf32> -> vector<256x256xf32>
      %broadcast_in_dim3A_122 = arith.constant 0.000000e+00 : f32
      %broadcast_in_dim3A_123 = vector.broadcast %broadcast_in_dim3A_122 : f32 to vector<256x16xf32>
      %eq3A_124 = arith.constant 0 : i32
      %eq3A_125 = vector.broadcast %eq3A_124 : i32 to vector<256x1xi32>
      %eq3A_126 = arith.cmpi eq, %select_n3A, %eq3A_125 : vector<256x1xi32>
      %slice3A_127 = vector.extract_strided_slice %dot_general3A_121 {offsets = [0, 0], sizes = [256, 16], strides = [1, 1]} : vector<256x256xf32> to vector<256x16xf32>
      %broadcast_in_dim3A_128 = vector.shape_cast %eq3A_126 : vector<256x1xi1> to vector<256x1xi1>
      %broadcast_in_dim3A_129 = vector.broadcast %broadcast_in_dim3A_128 : vector<256x1xi1> to vector<256x16xi1>
      %select_n3A_130 = arith.select %broadcast_in_dim3A_129, %slice3A_127, %broadcast_in_dim3A_123 : vector<256x16xi1>, vector<256x16xf32>
      %eq3A_131 = arith.constant 1 : i32
      %eq3A_132 = vector.broadcast %eq3A_131 : i32 to vector<256x1xi32>
      %eq3A_133 = arith.cmpi eq, %select_n3A, %eq3A_132 : vector<256x1xi32>
      %slice3A_134 = vector.extract_strided_slice %dot_general3A_121 {offsets = [0, 16], sizes = [256, 16], strides = [1, 1]} : vector<256x256xf32> to vector<256x16xf32>
      %broadcast_in_dim3A_135 = vector.shape_cast %eq3A_133 : vector<256x1xi1> to vector<256x1xi1>
      %broadcast_in_dim3A_136 = vector.broadcast %broadcast_in_dim3A_135 : vector<256x1xi1> to vector<256x16xi1>
      %select_n3A_137 = arith.select %broadcast_in_dim3A_136, %slice3A_134, %select_n3A_130 : vector<256x16xi1>, vector<256x16xf32>
      %eq3A_138 = arith.constant 2 : i32
      %eq3A_139 = vector.broadcast %eq3A_138 : i32 to vector<256x1xi32>
      %eq3A_140 = arith.cmpi eq, %select_n3A, %eq3A_139 : vector<256x1xi32>
      %slice3A_141 = vector.extract_strided_slice %dot_general3A_121 {offsets = [0, 32], sizes = [256, 16], strides = [1, 1]} : vector<256x256xf32> to vector<256x16xf32>
      %broadcast_in_dim3A_142 = vector.shape_cast %eq3A_140 : vector<256x1xi1> to vector<256x1xi1>
      %broadcast_in_dim3A_143 = vector.broadcast %broadcast_in_dim3A_142 : vector<256x1xi1> to vector<256x16xi1>
      %select_n3A_144 = arith.select %broadcast_in_dim3A_143, %slice3A_141, %select_n3A_137 : vector<256x16xi1>, vector<256x16xf32>
      %eq3A_145 = arith.constant 3 : i32
      %eq3A_146 = vector.broadcast %eq3A_145 : i32 to vector<256x1xi32>
      %eq3A_147 = arith.cmpi eq, %select_n3A, %eq3A_146 : vector<256x1xi32>
      %slice3A_148 = vector.extract_strided_slice %dot_general3A_121 {offsets = [0, 48], sizes = [256, 16], strides = [1, 1]} : vector<256x256xf32> to vector<256x16xf32>
      %broadcast_in_dim3A_149 = vector.shape_cast %eq3A_147 : vector<256x1xi1> to vector<256x1xi1>
      %broadcast_in_dim3A_150 = vector.broadcast %broadcast_in_dim3A_149 : vector<256x1xi1> to vector<256x16xi1>
      %select_n3A_151 = arith.select %broadcast_in_dim3A_150, %slice3A_148, %select_n3A_144 : vector<256x16xi1>, vector<256x16xf32>
      %eq3A_152 = arith.constant 4 : i32
      %eq3A_153 = vector.broadcast %eq3A_152 : i32 to vector<256x1xi32>
      %eq3A_154 = arith.cmpi eq, %select_n3A, %eq3A_153 : vector<256x1xi32>
      %slice3A_155 = vector.extract_strided_slice %dot_general3A_121 {offsets = [0, 64], sizes = [256, 16], strides = [1, 1]} : vector<256x256xf32> to vector<256x16xf32>
      %broadcast_in_dim3A_156 = vector.shape_cast %eq3A_154 : vector<256x1xi1> to vector<256x1xi1>
      %broadcast_in_dim3A_157 = vector.broadcast %broadcast_in_dim3A_156 : vector<256x1xi1> to vector<256x16xi1>
      %select_n3A_158 = arith.select %broadcast_in_dim3A_157, %slice3A_155, %select_n3A_151 : vector<256x16xi1>, vector<256x16xf32>
      %eq3A_159 = arith.constant 5 : i32
      %eq3A_160 = vector.broadcast %eq3A_159 : i32 to vector<256x1xi32>
      %eq3A_161 = arith.cmpi eq, %select_n3A, %eq3A_160 : vector<256x1xi32>
      %slice3A_162 = vector.extract_strided_slice %dot_general3A_121 {offsets = [0, 80], sizes = [256, 16], strides = [1, 1]} : vector<256x256xf32> to vector<256x16xf32>
      %broadcast_in_dim3A_163 = vector.shape_cast %eq3A_161 : vector<256x1xi1> to vector<256x1xi1>
      %broadcast_in_dim3A_164 = vector.broadcast %broadcast_in_dim3A_163 : vector<256x1xi1> to vector<256x16xi1>
      %select_n3A_165 = arith.select %broadcast_in_dim3A_164, %slice3A_162, %select_n3A_158 : vector<256x16xi1>, vector<256x16xf32>
      %eq3A_166 = arith.constant 6 : i32
      %eq3A_167 = vector.broadcast %eq3A_166 : i32 to vector<256x1xi32>
      %eq3A_168 = arith.cmpi eq, %select_n3A, %eq3A_167 : vector<256x1xi32>
      %slice3A_169 = vector.extract_strided_slice %dot_general3A_121 {offsets = [0, 96], sizes = [256, 16], strides = [1, 1]} : vector<256x256xf32> to vector<256x16xf32>
      %broadcast_in_dim3A_170 = vector.shape_cast %eq3A_168 : vector<256x1xi1> to vector<256x1xi1>
      %broadcast_in_dim3A_171 = vector.broadcast %broadcast_in_dim3A_170 : vector<256x1xi1> to vector<256x16xi1>
      %select_n3A_172 = arith.select %broadcast_in_dim3A_171, %slice3A_169, %select_n3A_165 : vector<256x16xi1>, vector<256x16xf32>
      %eq3A_173 = arith.constant 7 : i32
      %eq3A_174 = vector.broadcast %eq3A_173 : i32 to vector<256x1xi32>
      %eq3A_175 = arith.cmpi eq, %select_n3A, %eq3A_174 : vector<256x1xi32>
      %slice3A_176 = vector.extract_strided_slice %dot_general3A_121 {offsets = [0, 112], sizes = [256, 16], strides = [1, 1]} : vector<256x256xf32> to vector<256x16xf32>
      %broadcast_in_dim3A_177 = vector.shape_cast %eq3A_175 : vector<256x1xi1> to vector<256x1xi1>
      %broadcast_in_dim3A_178 = vector.broadcast %broadcast_in_dim3A_177 : vector<256x1xi1> to vector<256x16xi1>
      %select_n3A_179 = arith.select %broadcast_in_dim3A_178, %slice3A_176, %select_n3A_172 : vector<256x16xi1>, vector<256x16xf32>
      %eq3A_180 = arith.constant 8 : i32
      %eq3A_181 = vector.broadcast %eq3A_180 : i32 to vector<256x1xi32>
      %eq3A_182 = arith.cmpi eq, %select_n3A, %eq3A_181 : vector<256x1xi32>
      %slice3A_183 = vector.extract_strided_slice %dot_general3A_121 {offsets = [0, 128], sizes = [256, 16], strides = [1, 1]} : vector<256x256xf32> to vector<256x16xf32>
      %broadcast_in_dim3A_184 = vector.shape_cast %eq3A_182 : vector<256x1xi1> to vector<256x1xi1>
      %broadcast_in_dim3A_185 = vector.broadcast %broadcast_in_dim3A_184 : vector<256x1xi1> to vector<256x16xi1>
      %select_n3A_186 = arith.select %broadcast_in_dim3A_185, %slice3A_183, %select_n3A_179 : vector<256x16xi1>, vector<256x16xf32>
      %eq3A_187 = arith.constant 9 : i32
      %eq3A_188 = vector.broadcast %eq3A_187 : i32 to vector<256x1xi32>
      %eq3A_189 = arith.cmpi eq, %select_n3A, %eq3A_188 : vector<256x1xi32>
      %slice3A_190 = vector.extract_strided_slice %dot_general3A_121 {offsets = [0, 144], sizes = [256, 16], strides = [1, 1]} : vector<256x256xf32> to vector<256x16xf32>
      %broadcast_in_dim3A_191 = vector.shape_cast %eq3A_189 : vector<256x1xi1> to vector<256x1xi1>
      %broadcast_in_dim3A_192 = vector.broadcast %broadcast_in_dim3A_191 : vector<256x1xi1> to vector<256x16xi1>
      %select_n3A_193 = arith.select %broadcast_in_dim3A_192, %slice3A_190, %select_n3A_186 : vector<256x16xi1>, vector<256x16xf32>
      %eq3A_194 = arith.constant 10 : i32
      %eq3A_195 = vector.broadcast %eq3A_194 : i32 to vector<256x1xi32>
      %eq3A_196 = arith.cmpi eq, %select_n3A, %eq3A_195 : vector<256x1xi32>
      %slice3A_197 = vector.extract_strided_slice %dot_general3A_121 {offsets = [0, 160], sizes = [256, 16], strides = [1, 1]} : vector<256x256xf32> to vector<256x16xf32>
      %broadcast_in_dim3A_198 = vector.shape_cast %eq3A_196 : vector<256x1xi1> to vector<256x1xi1>
      %broadcast_in_dim3A_199 = vector.broadcast %broadcast_in_dim3A_198 : vector<256x1xi1> to vector<256x16xi1>
      %select_n3A_200 = arith.select %broadcast_in_dim3A_199, %slice3A_197, %select_n3A_193 : vector<256x16xi1>, vector<256x16xf32>
      %eq3A_201 = arith.constant 11 : i32
      %eq3A_202 = vector.broadcast %eq3A_201 : i32 to vector<256x1xi32>
      %eq3A_203 = arith.cmpi eq, %select_n3A, %eq3A_202 : vector<256x1xi32>
      %slice3A_204 = vector.extract_strided_slice %dot_general3A_121 {offsets = [0, 176], sizes = [256, 16], strides = [1, 1]} : vector<256x256xf32> to vector<256x16xf32>
      %broadcast_in_dim3A_205 = vector.shape_cast %eq3A_203 : vector<256x1xi1> to vector<256x1xi1>
      %broadcast_in_dim3A_206 = vector.broadcast %broadcast_in_dim3A_205 : vector<256x1xi1> to vector<256x16xi1>
      %select_n3A_207 = arith.select %broadcast_in_dim3A_206, %slice3A_204, %select_n3A_200 : vector<256x16xi1>, vector<256x16xf32>
      %eq3A_208 = arith.constant 12 : i32
      %eq3A_209 = vector.broadcast %eq3A_208 : i32 to vector<256x1xi32>
      %eq3A_210 = arith.cmpi eq, %select_n3A, %eq3A_209 : vector<256x1xi32>
      %slice3A_211 = vector.extract_strided_slice %dot_general3A_121 {offsets = [0, 192], sizes = [256, 16], strides = [1, 1]} : vector<256x256xf32> to vector<256x16xf32>
      %broadcast_in_dim3A_212 = vector.shape_cast %eq3A_210 : vector<256x1xi1> to vector<256x1xi1>
      %broadcast_in_dim3A_213 = vector.broadcast %broadcast_in_dim3A_212 : vector<256x1xi1> to vector<256x16xi1>
      %select_n3A_214 = arith.select %broadcast_in_dim3A_213, %slice3A_211, %select_n3A_207 : vector<256x16xi1>, vector<256x16xf32>
      %eq3A_215 = arith.constant 13 : i32
      %eq3A_216 = vector.broadcast %eq3A_215 : i32 to vector<256x1xi32>
      %eq3A_217 = arith.cmpi eq, %select_n3A, %eq3A_216 : vector<256x1xi32>
      %slice3A_218 = vector.extract_strided_slice %dot_general3A_121 {offsets = [0, 208], sizes = [256, 16], strides = [1, 1]} : vector<256x256xf32> to vector<256x16xf32>
      %broadcast_in_dim3A_219 = vector.shape_cast %eq3A_217 : vector<256x1xi1> to vector<256x1xi1>
      %broadcast_in_dim3A_220 = vector.broadcast %broadcast_in_dim3A_219 : vector<256x1xi1> to vector<256x16xi1>
      %select_n3A_221 = arith.select %broadcast_in_dim3A_220, %slice3A_218, %select_n3A_214 : vector<256x16xi1>, vector<256x16xf32>
      %eq3A_222 = arith.constant 14 : i32
      %eq3A_223 = vector.broadcast %eq3A_222 : i32 to vector<256x1xi32>
      %eq3A_224 = arith.cmpi eq, %select_n3A, %eq3A_223 : vector<256x1xi32>
      %slice3A_225 = vector.extract_strided_slice %dot_general3A_121 {offsets = [0, 224], sizes = [256, 16], strides = [1, 1]} : vector<256x256xf32> to vector<256x16xf32>
      %broadcast_in_dim3A_226 = vector.shape_cast %eq3A_224 : vector<256x1xi1> to vector<256x1xi1>
      %broadcast_in_dim3A_227 = vector.broadcast %broadcast_in_dim3A_226 : vector<256x1xi1> to vector<256x16xi1>
      %select_n3A_228 = arith.select %broadcast_in_dim3A_227, %slice3A_225, %select_n3A_221 : vector<256x16xi1>, vector<256x16xf32>
      %eq3A_229 = arith.constant 15 : i32
      %eq3A_230 = vector.broadcast %eq3A_229 : i32 to vector<256x1xi32>
      %eq3A_231 = arith.cmpi eq, %select_n3A, %eq3A_230 : vector<256x1xi32>
      %slice3A_232 = vector.extract_strided_slice %dot_general3A_121 {offsets = [0, 240], sizes = [256, 16], strides = [1, 1]} : vector<256x256xf32> to vector<256x16xf32>
      %broadcast_in_dim3A_233 = vector.shape_cast %eq3A_231 : vector<256x1xi1> to vector<256x1xi1>
      %broadcast_in_dim3A_234 = vector.broadcast %broadcast_in_dim3A_233 : vector<256x1xi1> to vector<256x16xi1>
      %select_n3A_235 = arith.select %broadcast_in_dim3A_234, %slice3A_232, %select_n3A_228 : vector<256x16xi1>, vector<256x16xf32>
      %mul3A_236 = arith.mulf %slice3A_115, %slice3A_115 : vector<256x128xf32>
      %reduce_sum3A_237 = arith.constant dense<0.000000e+00> : vector<256xf32>
      %reduce_sum3A_238 = vector.multi_reduction <add>, %mul3A_236, %reduce_sum3A_237 [1] : vector<256x128xf32> to vector<256xf32>
      %broadcast_in_dim3A_239 = vector.shape_cast %reduce_sum3A_238 : vector<256xf32> to vector<256x1xf32>
      %sqrt3A_240 = math.sqrt %broadcast_in_dim3A_239 : vector<256x1xf32>
      %max3A_241 = arith.constant 9.99999993E-9 : f32
      %max3A_242 = vector.broadcast %max3A_241 : f32 to vector<256x1xf32>
      %max3A_243 = arith.maximumf %sqrt3A_240, %max3A_242 : vector<256x1xf32>
      %mul3A_244 = arith.mulf %add3A_108, %add3A_108 : vector<256x128xf32>
      %reduce_sum3A_245 = arith.constant dense<0.000000e+00> : vector<256xf32>
      %reduce_sum3A_246 = vector.multi_reduction <add>, %mul3A_244, %reduce_sum3A_245 [1] : vector<256x128xf32> to vector<256xf32>
      %broadcast_in_dim3A_247 = vector.shape_cast %reduce_sum3A_246 : vector<256xf32> to vector<256x1xf32>
      %sqrt3A_248 = math.sqrt %broadcast_in_dim3A_247 : vector<256x1xf32>
      %max3A_249 = arith.constant 9.99999993E-9 : f32
      %max3A_250 = vector.broadcast %max3A_249 : f32 to vector<256x1xf32>
      %max3A_251 = arith.maximumf %sqrt3A_248, %max3A_250 : vector<256x1xf32>
      %reshape3A_252 = vector.shape_cast %max3A_251 : vector<256x1xf32> to vector<16x1x16xf32>
      %broadcast_in_dim3A_253 = vector.shape_cast %reshape3A_252 : vector<16x1x16xf32> to vector<16x1x16xf32>
      %broadcast_in_dim3A_254 = vector.broadcast %broadcast_in_dim3A_253 : vector<16x1x16xf32> to vector<16x16x16xf32>
      %reshape3A_255 = vector.shape_cast %broadcast_in_dim3A_254 : vector<16x16x16xf32> to vector<256x16xf32>
      %mul3A_256 = vector.broadcast %max3A_243 : vector<256x1xf32> to vector<256x16xf32>
      %mul3A_257 = arith.mulf %mul3A_256, %reshape3A_255 : vector<256x16xf32>
      %div3A_258 = arith.divf %select_n3A_235, %mul3A_257 : vector<256x16xf32>
      %convert_element_type3A_259 = arith.truncf %slice3A_116 : vector<256x128xf32> to vector<256x128xbf16>
      %convert_element_type3A_260 = arith.truncf %add3A_114 : vector<256x128xf32> to vector<256x128xbf16>
      %dot_general3A_261 = arith.constant dense<0.000000e+00> : vector<256x256xf32>
      %dot_general3A_262 = tpu.matmul %convert_element_type3A_259, %convert_element_type3A_260, %dot_general3A_261 {dimension_numbers = #tpu.dot_dimension_numbers<[1], [1], [0], [0], [0, 0, 1, 0], [], []>, transpose_lhs_hint = false} : vector<256x128xbf16>, vector<256x128xbf16>, vector<256x256xf32> -> vector<256x256xf32>
      %broadcast_in_dim3A_263 = arith.constant 0.000000e+00 : f32
      %broadcast_in_dim3A_264 = vector.broadcast %broadcast_in_dim3A_263 : f32 to vector<256x16xf32>
      %eq3A_265 = arith.constant 0 : i32
      %eq3A_266 = vector.broadcast %eq3A_265 : i32 to vector<256x1xi32>
      %eq3A_267 = arith.cmpi eq, %select_n3A, %eq3A_266 : vector<256x1xi32>
      %slice3A_268 = vector.extract_strided_slice %dot_general3A_262 {offsets = [0, 0], sizes = [256, 16], strides = [1, 1]} : vector<256x256xf32> to vector<256x16xf32>
      %broadcast_in_dim3A_269 = vector.shape_cast %eq3A_267 : vector<256x1xi1> to vector<256x1xi1>
      %broadcast_in_dim3A_270 = vector.broadcast %broadcast_in_dim3A_269 : vector<256x1xi1> to vector<256x16xi1>
      %select_n3A_271 = arith.select %broadcast_in_dim3A_270, %slice3A_268, %broadcast_in_dim3A_264 : vector<256x16xi1>, vector<256x16xf32>
      %eq3A_272 = arith.constant 1 : i32
      %eq3A_273 = vector.broadcast %eq3A_272 : i32 to vector<256x1xi32>
      %eq3A_274 = arith.cmpi eq, %select_n3A, %eq3A_273 : vector<256x1xi32>
      %slice3A_275 = vector.extract_strided_slice %dot_general3A_262 {offsets = [0, 16], sizes = [256, 16], strides = [1, 1]} : vector<256x256xf32> to vector<256x16xf32>
      %broadcast_in_dim3A_276 = vector.shape_cast %eq3A_274 : vector<256x1xi1> to vector<256x1xi1>
      %broadcast_in_dim3A_277 = vector.broadcast %broadcast_in_dim3A_276 : vector<256x1xi1> to vector<256x16xi1>
      %select_n3A_278 = arith.select %broadcast_in_dim3A_277, %slice3A_275, %select_n3A_271 : vector<256x16xi1>, vector<256x16xf32>
      %eq3A_279 = arith.constant 2 : i32
      %eq3A_280 = vector.broadcast %eq3A_279 : i32 to vector<256x1xi32>
      %eq3A_281 = arith.cmpi eq, %select_n3A, %eq3A_280 : vector<256x1xi32>
      %slice3A_282 = vector.extract_strided_slice %dot_general3A_262 {offsets = [0, 32], sizes = [256, 16], strides = [1, 1]} : vector<256x256xf32> to vector<256x16xf32>
      %broadcast_in_dim3A_283 = vector.shape_cast %eq3A_281 : vector<256x1xi1> to vector<256x1xi1>
      %broadcast_in_dim3A_284 = vector.broadcast %broadcast_in_dim3A_283 : vector<256x1xi1> to vector<256x16xi1>
      %select_n3A_285 = arith.select %broadcast_in_dim3A_284, %slice3A_282, %select_n3A_278 : vector<256x16xi1>, vector<256x16xf32>
      %eq3A_286 = arith.constant 3 : i32
      %eq3A_287 = vector.broadcast %eq3A_286 : i32 to vector<256x1xi32>
      %eq3A_288 = arith.cmpi eq, %select_n3A, %eq3A_287 : vector<256x1xi32>
      %slice3A_289 = vector.extract_strided_slice %dot_general3A_262 {offsets = [0, 48], sizes = [256, 16], strides = [1, 1]} : vector<256x256xf32> to vector<256x16xf32>
      %broadcast_in_dim3A_290 = vector.shape_cast %eq3A_288 : vector<256x1xi1> to vector<256x1xi1>
      %broadcast_in_dim3A_291 = vector.broadcast %broadcast_in_dim3A_290 : vector<256x1xi1> to vector<256x16xi1>
      %select_n3A_292 = arith.select %broadcast_in_dim3A_291, %slice3A_289, %select_n3A_285 : vector<256x16xi1>, vector<256x16xf32>
      %eq3A_293 = arith.constant 4 : i32
      %eq3A_294 = vector.broadcast %eq3A_293 : i32 to vector<256x1xi32>
      %eq3A_295 = arith.cmpi eq, %select_n3A, %eq3A_294 : vector<256x1xi32>
      %slice3A_296 = vector.extract_strided_slice %dot_general3A_262 {offsets = [0, 64], sizes = [256, 16], strides = [1, 1]} : vector<256x256xf32> to vector<256x16xf32>
      %broadcast_in_dim3A_297 = vector.shape_cast %eq3A_295 : vector<256x1xi1> to vector<256x1xi1>
      %broadcast_in_dim3A_298 = vector.broadcast %broadcast_in_dim3A_297 : vector<256x1xi1> to vector<256x16xi1>
      %select_n3A_299 = arith.select %broadcast_in_dim3A_298, %slice3A_296, %select_n3A_292 : vector<256x16xi1>, vector<256x16xf32>
      %eq3A_300 = arith.constant 5 : i32
      %eq3A_301 = vector.broadcast %eq3A_300 : i32 to vector<256x1xi32>
      %eq3A_302 = arith.cmpi eq, %select_n3A, %eq3A_301 : vector<256x1xi32>
      %slice3A_303 = vector.extract_strided_slice %dot_general3A_262 {offsets = [0, 80], sizes = [256, 16], strides = [1, 1]} : vector<256x256xf32> to vector<256x16xf32>
      %broadcast_in_dim3A_304 = vector.shape_cast %eq3A_302 : vector<256x1xi1> to vector<256x1xi1>
      %broadcast_in_dim3A_305 = vector.broadcast %broadcast_in_dim3A_304 : vector<256x1xi1> to vector<256x16xi1>
      %select_n3A_306 = arith.select %broadcast_in_dim3A_305, %slice3A_303, %select_n3A_299 : vector<256x16xi1>, vector<256x16xf32>
      %eq3A_307 = arith.constant 6 : i32
      %eq3A_308 = vector.broadcast %eq3A_307 : i32 to vector<256x1xi32>
      %eq3A_309 = arith.cmpi eq, %select_n3A, %eq3A_308 : vector<256x1xi32>
      %slice3A_310 = vector.extract_strided_slice %dot_general3A_262 {offsets = [0, 96], sizes = [256, 16], strides = [1, 1]} : vector<256x256xf32> to vector<256x16xf32>
      %broadcast_in_dim3A_311 = vector.shape_cast %eq3A_309 : vector<256x1xi1> to vector<256x1xi1>
      %broadcast_in_dim3A_312 = vector.broadcast %broadcast_in_dim3A_311 : vector<256x1xi1> to vector<256x16xi1>
      %select_n3A_313 = arith.select %broadcast_in_dim3A_312, %slice3A_310, %select_n3A_306 : vector<256x16xi1>, vector<256x16xf32>
      %eq3A_314 = arith.constant 7 : i32
      %eq3A_315 = vector.broadcast %eq3A_314 : i32 to vector<256x1xi32>
      %eq3A_316 = arith.cmpi eq, %select_n3A, %eq3A_315 : vector<256x1xi32>
      %slice3A_317 = vector.extract_strided_slice %dot_general3A_262 {offsets = [0, 112], sizes = [256, 16], strides = [1, 1]} : vector<256x256xf32> to vector<256x16xf32>
      %broadcast_in_dim3A_318 = vector.shape_cast %eq3A_316 : vector<256x1xi1> to vector<256x1xi1>
      %broadcast_in_dim3A_319 = vector.broadcast %broadcast_in_dim3A_318 : vector<256x1xi1> to vector<256x16xi1>
      %select_n3A_320 = arith.select %broadcast_in_dim3A_319, %slice3A_317, %select_n3A_313 : vector<256x16xi1>, vector<256x16xf32>
      %eq3A_321 = arith.constant 8 : i32
      %eq3A_322 = vector.broadcast %eq3A_321 : i32 to vector<256x1xi32>
      %eq3A_323 = arith.cmpi eq, %select_n3A, %eq3A_322 : vector<256x1xi32>
      %slice3A_324 = vector.extract_strided_slice %dot_general3A_262 {offsets = [0, 128], sizes = [256, 16], strides = [1, 1]} : vector<256x256xf32> to vector<256x16xf32>
      %broadcast_in_dim3A_325 = vector.shape_cast %eq3A_323 : vector<256x1xi1> to vector<256x1xi1>
      %broadcast_in_dim3A_326 = vector.broadcast %broadcast_in_dim3A_325 : vector<256x1xi1> to vector<256x16xi1>
      %select_n3A_327 = arith.select %broadcast_in_dim3A_326, %slice3A_324, %select_n3A_320 : vector<256x16xi1>, vector<256x16xf32>
      %eq3A_328 = arith.constant 9 : i32
      %eq3A_329 = vector.broadcast %eq3A_328 : i32 to vector<256x1xi32>
      %eq3A_330 = arith.cmpi eq, %select_n3A, %eq3A_329 : vector<256x1xi32>
      %slice3A_331 = vector.extract_strided_slice %dot_general3A_262 {offsets = [0, 144], sizes = [256, 16], strides = [1, 1]} : vector<256x256xf32> to vector<256x16xf32>
      %broadcast_in_dim3A_332 = vector.shape_cast %eq3A_330 : vector<256x1xi1> to vector<256x1xi1>
      %broadcast_in_dim3A_333 = vector.broadcast %broadcast_in_dim3A_332 : vector<256x1xi1> to vector<256x16xi1>
      %select_n3A_334 = arith.select %broadcast_in_dim3A_333, %slice3A_331, %select_n3A_327 : vector<256x16xi1>, vector<256x16xf32>
      %eq3A_335 = arith.constant 10 : i32
      %eq3A_336 = vector.broadcast %eq3A_335 : i32 to vector<256x1xi32>
      %eq3A_337 = arith.cmpi eq, %select_n3A, %eq3A_336 : vector<256x1xi32>
      %slice3A_338 = vector.extract_strided_slice %dot_general3A_262 {offsets = [0, 160], sizes = [256, 16], strides = [1, 1]} : vector<256x256xf32> to vector<256x16xf32>
      %broadcast_in_dim3A_339 = vector.shape_cast %eq3A_337 : vector<256x1xi1> to vector<256x1xi1>
      %broadcast_in_dim3A_340 = vector.broadcast %broadcast_in_dim3A_339 : vector<256x1xi1> to vector<256x16xi1>
      %select_n3A_341 = arith.select %broadcast_in_dim3A_340, %slice3A_338, %select_n3A_334 : vector<256x16xi1>, vector<256x16xf32>
      %eq3A_342 = arith.constant 11 : i32
      %eq3A_343 = vector.broadcast %eq3A_342 : i32 to vector<256x1xi32>
      %eq3A_344 = arith.cmpi eq, %select_n3A, %eq3A_343 : vector<256x1xi32>
      %slice3A_345 = vector.extract_strided_slice %dot_general3A_262 {offsets = [0, 176], sizes = [256, 16], strides = [1, 1]} : vector<256x256xf32> to vector<256x16xf32>
      %broadcast_in_dim3A_346 = vector.shape_cast %eq3A_344 : vector<256x1xi1> to vector<256x1xi1>
      %broadcast_in_dim3A_347 = vector.broadcast %broadcast_in_dim3A_346 : vector<256x1xi1> to vector<256x16xi1>
      %select_n3A_348 = arith.select %broadcast_in_dim3A_347, %slice3A_345, %select_n3A_341 : vector<256x16xi1>, vector<256x16xf32>
      %eq3A_349 = arith.constant 12 : i32
      %eq3A_350 = vector.broadcast %eq3A_349 : i32 to vector<256x1xi32>
      %eq3A_351 = arith.cmpi eq, %select_n3A, %eq3A_350 : vector<256x1xi32>
      %slice3A_352 = vector.extract_strided_slice %dot_general3A_262 {offsets = [0, 192], sizes = [256, 16], strides = [1, 1]} : vector<256x256xf32> to vector<256x16xf32>
      %broadcast_in_dim3A_353 = vector.shape_cast %eq3A_351 : vector<256x1xi1> to vector<256x1xi1>
      %broadcast_in_dim3A_354 = vector.broadcast %broadcast_in_dim3A_353 : vector<256x1xi1> to vector<256x16xi1>
      %select_n3A_355 = arith.select %broadcast_in_dim3A_354, %slice3A_352, %select_n3A_348 : vector<256x16xi1>, vector<256x16xf32>
      %eq3A_356 = arith.constant 13 : i32
      %eq3A_357 = vector.broadcast %eq3A_356 : i32 to vector<256x1xi32>
      %eq3A_358 = arith.cmpi eq, %select_n3A, %eq3A_357 : vector<256x1xi32>
      %slice3A_359 = vector.extract_strided_slice %dot_general3A_262 {offsets = [0, 208], sizes = [256, 16], strides = [1, 1]} : vector<256x256xf32> to vector<256x16xf32>
      %broadcast_in_dim3A_360 = vector.shape_cast %eq3A_358 : vector<256x1xi1> to vector<256x1xi1>
      %broadcast_in_dim3A_361 = vector.broadcast %broadcast_in_dim3A_360 : vector<256x1xi1> to vector<256x16xi1>
      %select_n3A_362 = arith.select %broadcast_in_dim3A_361, %slice3A_359, %select_n3A_355 : vector<256x16xi1>, vector<256x16xf32>
      %eq3A_363 = arith.constant 14 : i32
      %eq3A_364 = vector.broadcast %eq3A_363 : i32 to vector<256x1xi32>
      %eq3A_365 = arith.cmpi eq, %select_n3A, %eq3A_364 : vector<256x1xi32>
      %slice3A_366 = vector.extract_strided_slice %dot_general3A_262 {offsets = [0, 224], sizes = [256, 16], strides = [1, 1]} : vector<256x256xf32> to vector<256x16xf32>
      %broadcast_in_dim3A_367 = vector.shape_cast %eq3A_365 : vector<256x1xi1> to vector<256x1xi1>
      %broadcast_in_dim3A_368 = vector.broadcast %broadcast_in_dim3A_367 : vector<256x1xi1> to vector<256x16xi1>
      %select_n3A_369 = arith.select %broadcast_in_dim3A_368, %slice3A_366, %select_n3A_362 : vector<256x16xi1>, vector<256x16xf32>
      %eq3A_370 = arith.constant 15 : i32
      %eq3A_371 = vector.broadcast %eq3A_370 : i32 to vector<256x1xi32>
      %eq3A_372 = arith.cmpi eq, %select_n3A, %eq3A_371 : vector<256x1xi32>
      %slice3A_373 = vector.extract_strided_slice %dot_general3A_262 {offsets = [0, 240], sizes = [256, 16], strides = [1, 1]} : vector<256x256xf32> to vector<256x16xf32>
      %broadcast_in_dim3A_374 = vector.shape_cast %eq3A_372 : vector<256x1xi1> to vector<256x1xi1>
      %broadcast_in_dim3A_375 = vector.broadcast %broadcast_in_dim3A_374 : vector<256x1xi1> to vector<256x16xi1>
      %select_n3A_376 = arith.select %broadcast_in_dim3A_375, %slice3A_373, %select_n3A_369 : vector<256x16xi1>, vector<256x16xf32>
      %mul3A_377 = arith.mulf %slice3A_116, %slice3A_116 : vector<256x128xf32>
      %reduce_sum3A_378 = arith.constant dense<0.000000e+00> : vector<256xf32>
      %reduce_sum3A_379 = vector.multi_reduction <add>, %mul3A_377, %reduce_sum3A_378 [1] : vector<256x128xf32> to vector<256xf32>
      %broadcast_in_dim3A_380 = vector.shape_cast %reduce_sum3A_379 : vector<256xf32> to vector<256x1xf32>
      %sqrt3A_381 = math.sqrt %broadcast_in_dim3A_380 : vector<256x1xf32>
      %max3A_382 = arith.constant 9.99999993E-9 : f32
      %max3A_383 = vector.broadcast %max3A_382 : f32 to vector<256x1xf32>
      %max3A_384 = arith.maximumf %sqrt3A_381, %max3A_383 : vector<256x1xf32>
      %mul3A_385 = arith.mulf %add3A_114, %add3A_114 : vector<256x128xf32>
      %reduce_sum3A_386 = arith.constant dense<0.000000e+00> : vector<256xf32>
      %reduce_sum3A_387 = vector.multi_reduction <add>, %mul3A_385, %reduce_sum3A_386 [1] : vector<256x128xf32> to vector<256xf32>
      %broadcast_in_dim3A_388 = vector.shape_cast %reduce_sum3A_387 : vector<256xf32> to vector<256x1xf32>
      %sqrt3A_389 = math.sqrt %broadcast_in_dim3A_388 : vector<256x1xf32>
      %max3A_390 = arith.constant 9.99999993E-9 : f32
      %max3A_391 = vector.broadcast %max3A_390 : f32 to vector<256x1xf32>
      %max3A_392 = arith.maximumf %sqrt3A_389, %max3A_391 : vector<256x1xf32>
      %reshape3A_393 = vector.shape_cast %max3A_392 : vector<256x1xf32> to vector<16x1x16xf32>
      %broadcast_in_dim3A_394 = vector.shape_cast %reshape3A_393 : vector<16x1x16xf32> to vector<16x1x16xf32>
      %broadcast_in_dim3A_395 = vector.broadcast %broadcast_in_dim3A_394 : vector<16x1x16xf32> to vector<16x16x16xf32>
      %reshape3A_396 = vector.shape_cast %broadcast_in_dim3A_395 : vector<16x16x16xf32> to vector<256x16xf32>
      %mul3A_397 = vector.broadcast %max3A_384 : vector<256x1xf32> to vector<256x16xf32>
      %mul3A_398 = arith.mulf %mul3A_397, %reshape3A_396 : vector<256x16xf32>
      %div3A_399 = arith.divf %select_n3A_376, %mul3A_398 : vector<256x16xf32>
      %convert_element_type3A_400 = arith.truncf %slice3A_117 : vector<256x128xf32> to vector<256x128xbf16>
      %convert_element_type3A_401 = arith.truncf %slice3A : vector<256x128xf32> to vector<256x128xbf16>
      %dot_general3A_402 = arith.constant dense<0.000000e+00> : vector<256x256xf32>
      %dot_general3A_403 = tpu.matmul %convert_element_type3A_400, %convert_element_type3A_401, %dot_general3A_402 {dimension_numbers = #tpu.dot_dimension_numbers<[1], [1], [0], [0], [0, 0, 1, 0], [], []>, transpose_lhs_hint = false} : vector<256x128xbf16>, vector<256x128xbf16>, vector<256x256xf32> -> vector<256x256xf32>
      %broadcast_in_dim3A_404 = arith.constant 0.000000e+00 : f32
      %broadcast_in_dim3A_405 = vector.broadcast %broadcast_in_dim3A_404 : f32 to vector<256x16xf32>
      %eq3A_406 = arith.constant 0 : i32
      %eq3A_407 = vector.broadcast %eq3A_406 : i32 to vector<256x1xi32>
      %eq3A_408 = arith.cmpi eq, %select_n3A, %eq3A_407 : vector<256x1xi32>
      %slice3A_409 = vector.extract_strided_slice %dot_general3A_403 {offsets = [0, 0], sizes = [256, 16], strides = [1, 1]} : vector<256x256xf32> to vector<256x16xf32>
      %broadcast_in_dim3A_410 = vector.shape_cast %eq3A_408 : vector<256x1xi1> to vector<256x1xi1>
      %broadcast_in_dim3A_411 = vector.broadcast %broadcast_in_dim3A_410 : vector<256x1xi1> to vector<256x16xi1>
      %select_n3A_412 = arith.select %broadcast_in_dim3A_411, %slice3A_409, %broadcast_in_dim3A_405 : vector<256x16xi1>, vector<256x16xf32>
      %eq3A_413 = arith.constant 1 : i32
      %eq3A_414 = vector.broadcast %eq3A_413 : i32 to vector<256x1xi32>
      %eq3A_415 = arith.cmpi eq, %select_n3A, %eq3A_414 : vector<256x1xi32>
      %slice3A_416 = vector.extract_strided_slice %dot_general3A_403 {offsets = [0, 16], sizes = [256, 16], strides = [1, 1]} : vector<256x256xf32> to vector<256x16xf32>
      %broadcast_in_dim3A_417 = vector.shape_cast %eq3A_415 : vector<256x1xi1> to vector<256x1xi1>
      %broadcast_in_dim3A_418 = vector.broadcast %broadcast_in_dim3A_417 : vector<256x1xi1> to vector<256x16xi1>
      %select_n3A_419 = arith.select %broadcast_in_dim3A_418, %slice3A_416, %select_n3A_412 : vector<256x16xi1>, vector<256x16xf32>
      %eq3A_420 = arith.constant 2 : i32
      %eq3A_421 = vector.broadcast %eq3A_420 : i32 to vector<256x1xi32>
      %eq3A_422 = arith.cmpi eq, %select_n3A, %eq3A_421 : vector<256x1xi32>
      %slice3A_423 = vector.extract_strided_slice %dot_general3A_403 {offsets = [0, 32], sizes = [256, 16], strides = [1, 1]} : vector<256x256xf32> to vector<256x16xf32>
      %broadcast_in_dim3A_424 = vector.shape_cast %eq3A_422 : vector<256x1xi1> to vector<256x1xi1>
      %broadcast_in_dim3A_425 = vector.broadcast %broadcast_in_dim3A_424 : vector<256x1xi1> to vector<256x16xi1>
      %select_n3A_426 = arith.select %broadcast_in_dim3A_425, %slice3A_423, %select_n3A_419 : vector<256x16xi1>, vector<256x16xf32>
      %eq3A_427 = arith.constant 3 : i32
      %eq3A_428 = vector.broadcast %eq3A_427 : i32 to vector<256x1xi32>
      %eq3A_429 = arith.cmpi eq, %select_n3A, %eq3A_428 : vector<256x1xi32>
      %slice3A_430 = vector.extract_strided_slice %dot_general3A_403 {offsets = [0, 48], sizes = [256, 16], strides = [1, 1]} : vector<256x256xf32> to vector<256x16xf32>
      %broadcast_in_dim3A_431 = vector.shape_cast %eq3A_429 : vector<256x1xi1> to vector<256x1xi1>
      %broadcast_in_dim3A_432 = vector.broadcast %broadcast_in_dim3A_431 : vector<256x1xi1> to vector<256x16xi1>
      %select_n3A_433 = arith.select %broadcast_in_dim3A_432, %slice3A_430, %select_n3A_426 : vector<256x16xi1>, vector<256x16xf32>
      %eq3A_434 = arith.constant 4 : i32
      %eq3A_435 = vector.broadcast %eq3A_434 : i32 to vector<256x1xi32>
      %eq3A_436 = arith.cmpi eq, %select_n3A, %eq3A_435 : vector<256x1xi32>
      %slice3A_437 = vector.extract_strided_slice %dot_general3A_403 {offsets = [0, 64], sizes = [256, 16], strides = [1, 1]} : vector<256x256xf32> to vector<256x16xf32>
      %broadcast_in_dim3A_438 = vector.shape_cast %eq3A_436 : vector<256x1xi1> to vector<256x1xi1>
      %broadcast_in_dim3A_439 = vector.broadcast %broadcast_in_dim3A_438 : vector<256x1xi1> to vector<256x16xi1>
      %select_n3A_440 = arith.select %broadcast_in_dim3A_439, %slice3A_437, %select_n3A_433 : vector<256x16xi1>, vector<256x16xf32>
      %eq3A_441 = arith.constant 5 : i32
      %eq3A_442 = vector.broadcast %eq3A_441 : i32 to vector<256x1xi32>
      %eq3A_443 = arith.cmpi eq, %select_n3A, %eq3A_442 : vector<256x1xi32>
      %slice3A_444 = vector.extract_strided_slice %dot_general3A_403 {offsets = [0, 80], sizes = [256, 16], strides = [1, 1]} : vector<256x256xf32> to vector<256x16xf32>
      %broadcast_in_dim3A_445 = vector.shape_cast %eq3A_443 : vector<256x1xi1> to vector<256x1xi1>
      %broadcast_in_dim3A_446 = vector.broadcast %broadcast_in_dim3A_445 : vector<256x1xi1> to vector<256x16xi1>
      %select_n3A_447 = arith.select %broadcast_in_dim3A_446, %slice3A_444, %select_n3A_440 : vector<256x16xi1>, vector<256x16xf32>
      %eq3A_448 = arith.constant 6 : i32
      %eq3A_449 = vector.broadcast %eq3A_448 : i32 to vector<256x1xi32>
      %eq3A_450 = arith.cmpi eq, %select_n3A, %eq3A_449 : vector<256x1xi32>
      %slice3A_451 = vector.extract_strided_slice %dot_general3A_403 {offsets = [0, 96], sizes = [256, 16], strides = [1, 1]} : vector<256x256xf32> to vector<256x16xf32>
      %broadcast_in_dim3A_452 = vector.shape_cast %eq3A_450 : vector<256x1xi1> to vector<256x1xi1>
      %broadcast_in_dim3A_453 = vector.broadcast %broadcast_in_dim3A_452 : vector<256x1xi1> to vector<256x16xi1>
      %select_n3A_454 = arith.select %broadcast_in_dim3A_453, %slice3A_451, %select_n3A_447 : vector<256x16xi1>, vector<256x16xf32>
      %eq3A_455 = arith.constant 7 : i32
      %eq3A_456 = vector.broadcast %eq3A_455 : i32 to vector<256x1xi32>
      %eq3A_457 = arith.cmpi eq, %select_n3A, %eq3A_456 : vector<256x1xi32>
      %slice3A_458 = vector.extract_strided_slice %dot_general3A_403 {offsets = [0, 112], sizes = [256, 16], strides = [1, 1]} : vector<256x256xf32> to vector<256x16xf32>
      %broadcast_in_dim3A_459 = vector.shape_cast %eq3A_457 : vector<256x1xi1> to vector<256x1xi1>
      %broadcast_in_dim3A_460 = vector.broadcast %broadcast_in_dim3A_459 : vector<256x1xi1> to vector<256x16xi1>
      %select_n3A_461 = arith.select %broadcast_in_dim3A_460, %slice3A_458, %select_n3A_454 : vector<256x16xi1>, vector<256x16xf32>
      %eq3A_462 = arith.constant 8 : i32
      %eq3A_463 = vector.broadcast %eq3A_462 : i32 to vector<256x1xi32>
      %eq3A_464 = arith.cmpi eq, %select_n3A, %eq3A_463 : vector<256x1xi32>
      %slice3A_465 = vector.extract_strided_slice %dot_general3A_403 {offsets = [0, 128], sizes = [256, 16], strides = [1, 1]} : vector<256x256xf32> to vector<256x16xf32>
      %broadcast_in_dim3A_466 = vector.shape_cast %eq3A_464 : vector<256x1xi1> to vector<256x1xi1>
      %broadcast_in_dim3A_467 = vector.broadcast %broadcast_in_dim3A_466 : vector<256x1xi1> to vector<256x16xi1>
      %select_n3A_468 = arith.select %broadcast_in_dim3A_467, %slice3A_465, %select_n3A_461 : vector<256x16xi1>, vector<256x16xf32>
      %eq3A_469 = arith.constant 9 : i32
      %eq3A_470 = vector.broadcast %eq3A_469 : i32 to vector<256x1xi32>
      %eq3A_471 = arith.cmpi eq, %select_n3A, %eq3A_470 : vector<256x1xi32>
      %slice3A_472 = vector.extract_strided_slice %dot_general3A_403 {offsets = [0, 144], sizes = [256, 16], strides = [1, 1]} : vector<256x256xf32> to vector<256x16xf32>
      %broadcast_in_dim3A_473 = vector.shape_cast %eq3A_471 : vector<256x1xi1> to vector<256x1xi1>
      %broadcast_in_dim3A_474 = vector.broadcast %broadcast_in_dim3A_473 : vector<256x1xi1> to vector<256x16xi1>
      %select_n3A_475 = arith.select %broadcast_in_dim3A_474, %slice3A_472, %select_n3A_468 : vector<256x16xi1>, vector<256x16xf32>
      %eq3A_476 = arith.constant 10 : i32
      %eq3A_477 = vector.broadcast %eq3A_476 : i32 to vector<256x1xi32>
      %eq3A_478 = arith.cmpi eq, %select_n3A, %eq3A_477 : vector<256x1xi32>
      %slice3A_479 = vector.extract_strided_slice %dot_general3A_403 {offsets = [0, 160], sizes = [256, 16], strides = [1, 1]} : vector<256x256xf32> to vector<256x16xf32>
      %broadcast_in_dim3A_480 = vector.shape_cast %eq3A_478 : vector<256x1xi1> to vector<256x1xi1>
      %broadcast_in_dim3A_481 = vector.broadcast %broadcast_in_dim3A_480 : vector<256x1xi1> to vector<256x16xi1>
      %select_n3A_482 = arith.select %broadcast_in_dim3A_481, %slice3A_479, %select_n3A_475 : vector<256x16xi1>, vector<256x16xf32>
      %eq3A_483 = arith.constant 11 : i32
      %eq3A_484 = vector.broadcast %eq3A_483 : i32 to vector<256x1xi32>
      %eq3A_485 = arith.cmpi eq, %select_n3A, %eq3A_484 : vector<256x1xi32>
      %slice3A_486 = vector.extract_strided_slice %dot_general3A_403 {offsets = [0, 176], sizes = [256, 16], strides = [1, 1]} : vector<256x256xf32> to vector<256x16xf32>
      %broadcast_in_dim3A_487 = vector.shape_cast %eq3A_485 : vector<256x1xi1> to vector<256x1xi1>
      %broadcast_in_dim3A_488 = vector.broadcast %broadcast_in_dim3A_487 : vector<256x1xi1> to vector<256x16xi1>
      %select_n3A_489 = arith.select %broadcast_in_dim3A_488, %slice3A_486, %select_n3A_482 : vector<256x16xi1>, vector<256x16xf32>
      %eq3A_490 = arith.constant 12 : i32
      %eq3A_491 = vector.broadcast %eq3A_490 : i32 to vector<256x1xi32>
      %eq3A_492 = arith.cmpi eq, %select_n3A, %eq3A_491 : vector<256x1xi32>
      %slice3A_493 = vector.extract_strided_slice %dot_general3A_403 {offsets = [0, 192], sizes = [256, 16], strides = [1, 1]} : vector<256x256xf32> to vector<256x16xf32>
      %broadcast_in_dim3A_494 = vector.shape_cast %eq3A_492 : vector<256x1xi1> to vector<256x1xi1>
      %broadcast_in_dim3A_495 = vector.broadcast %broadcast_in_dim3A_494 : vector<256x1xi1> to vector<256x16xi1>
      %select_n3A_496 = arith.select %broadcast_in_dim3A_495, %slice3A_493, %select_n3A_489 : vector<256x16xi1>, vector<256x16xf32>
      %eq3A_497 = arith.constant 13 : i32
      %eq3A_498 = vector.broadcast %eq3A_497 : i32 to vector<256x1xi32>
      %eq3A_499 = arith.cmpi eq, %select_n3A, %eq3A_498 : vector<256x1xi32>
      %slice3A_500 = vector.extract_strided_slice %dot_general3A_403 {offsets = [0, 208], sizes = [256, 16], strides = [1, 1]} : vector<256x256xf32> to vector<256x16xf32>
      %broadcast_in_dim3A_501 = vector.shape_cast %eq3A_499 : vector<256x1xi1> to vector<256x1xi1>
      %broadcast_in_dim3A_502 = vector.broadcast %broadcast_in_dim3A_501 : vector<256x1xi1> to vector<256x16xi1>
      %select_n3A_503 = arith.select %broadcast_in_dim3A_502, %slice3A_500, %select_n3A_496 : vector<256x16xi1>, vector<256x16xf32>
      %eq3A_504 = arith.constant 14 : i32
      %eq3A_505 = vector.broadcast %eq3A_504 : i32 to vector<256x1xi32>
      %eq3A_506 = arith.cmpi eq, %select_n3A, %eq3A_505 : vector<256x1xi32>
      %slice3A_507 = vector.extract_strided_slice %dot_general3A_403 {offsets = [0, 224], sizes = [256, 16], strides = [1, 1]} : vector<256x256xf32> to vector<256x16xf32>
      %broadcast_in_dim3A_508 = vector.shape_cast %eq3A_506 : vector<256x1xi1> to vector<256x1xi1>
      %broadcast_in_dim3A_509 = vector.broadcast %broadcast_in_dim3A_508 : vector<256x1xi1> to vector<256x16xi1>
      %select_n3A_510 = arith.select %broadcast_in_dim3A_509, %slice3A_507, %select_n3A_503 : vector<256x16xi1>, vector<256x16xf32>
      %eq3A_511 = arith.constant 15 : i32
      %eq3A_512 = vector.broadcast %eq3A_511 : i32 to vector<256x1xi32>
      %eq3A_513 = arith.cmpi eq, %select_n3A, %eq3A_512 : vector<256x1xi32>
      %slice3A_514 = vector.extract_strided_slice %dot_general3A_403 {offsets = [0, 240], sizes = [256, 16], strides = [1, 1]} : vector<256x256xf32> to vector<256x16xf32>
      %broadcast_in_dim3A_515 = vector.shape_cast %eq3A_513 : vector<256x1xi1> to vector<256x1xi1>
      %broadcast_in_dim3A_516 = vector.broadcast %broadcast_in_dim3A_515 : vector<256x1xi1> to vector<256x16xi1>
      %select_n3A_517 = arith.select %broadcast_in_dim3A_516, %slice3A_514, %select_n3A_510 : vector<256x16xi1>, vector<256x16xf32>
      %mul3A_518 = arith.mulf %slice3A_117, %slice3A_117 : vector<256x128xf32>
      %reduce_sum3A_519 = arith.constant dense<0.000000e+00> : vector<256xf32>
      %reduce_sum3A_520 = vector.multi_reduction <add>, %mul3A_518, %reduce_sum3A_519 [1] : vector<256x128xf32> to vector<256xf32>
      %broadcast_in_dim3A_521 = vector.shape_cast %reduce_sum3A_520 : vector<256xf32> to vector<256x1xf32>
      %sqrt3A_522 = math.sqrt %broadcast_in_dim3A_521 : vector<256x1xf32>
      %max3A_523 = arith.constant 9.99999993E-9 : f32
      %max3A_524 = vector.broadcast %max3A_523 : f32 to vector<256x1xf32>
      %max3A_525 = arith.maximumf %sqrt3A_522, %max3A_524 : vector<256x1xf32>
      %mul3A_526 = arith.mulf %slice3A, %slice3A : vector<256x128xf32>
      %reduce_sum3A_527 = arith.constant dense<0.000000e+00> : vector<256xf32>
      %reduce_sum3A_528 = vector.multi_reduction <add>, %mul3A_526, %reduce_sum3A_527 [1] : vector<256x128xf32> to vector<256xf32>
      %broadcast_in_dim3A_529 = vector.shape_cast %reduce_sum3A_528 : vector<256xf32> to vector<256x1xf32>
      %sqrt3A_530 = math.sqrt %broadcast_in_dim3A_529 : vector<256x1xf32>
      %max3A_531 = arith.constant 9.99999993E-9 : f32
      %max3A_532 = vector.broadcast %max3A_531 : f32 to vector<256x1xf32>
      %max3A_533 = arith.maximumf %sqrt3A_530, %max3A_532 : vector<256x1xf32>
      %reshape3A_534 = vector.shape_cast %max3A_533 : vector<256x1xf32> to vector<16x1x16xf32>
      %broadcast_in_dim3A_535 = vector.shape_cast %reshape3A_534 : vector<16x1x16xf32> to vector<16x1x16xf32>
      %broadcast_in_dim3A_536 = vector.broadcast %broadcast_in_dim3A_535 : vector<16x1x16xf32> to vector<16x16x16xf32>
      %reshape3A_537 = vector.shape_cast %broadcast_in_dim3A_536 : vector<16x16x16xf32> to vector<256x16xf32>
      %mul3A_538 = vector.broadcast %max3A_525 : vector<256x1xf32> to vector<256x16xf32>
      %mul3A_539 = arith.mulf %mul3A_538, %reshape3A_537 : vector<256x16xf32>
      %div3A_540 = arith.divf %select_n3A_517, %mul3A_539 : vector<256x16xf32>
      %add3A_541 = arith.addf %div3A_258, %div3A_399 : vector<256x16xf32>
      %div3A_542 = arith.constant 4.000000e+00 : f32
      %div3A_543 = vector.broadcast %div3A_542 : f32 to vector<256x16xf32>
      %div3A_544 = arith.divf %add3A_541, %div3A_543 : vector<256x16xf32>
      %div3A_545 = arith.constant 2.000000e+00 : f32
      %div3A_546 = vector.broadcast %div3A_545 : f32 to vector<256x16xf32>
      %div3A_547 = arith.divf %div3A_540, %div3A_546 : vector<256x16xf32>
      %add3A_548 = arith.addf %div3A_544, %div3A_547 : vector<256x16xf32>
      %swap3A_549 = arith.index_cast %mul3A_74 : i32 to index
      %swap3A_550 = arith.constant 0 : index
      %swap3A_551 = vector.load %arg10[%swap3A_549, %swap3A_550] : memref<8192x16xf32, #tpu.memory_space<vmem>>, vector<256x16xf32>
      tpu.vector_store %arg10[%swap3A_549, %swap3A_550], %add3A_548 {strides = array<i32>} : memref<8192x16xf32, #tpu.memory_space<vmem>>, vector<256x16xf32>,
    }
    %scan3A_43 = arith.constant 32 : i32
    %get3A_44 = arith.constant 0 : index
    %get3A_45 = arith.constant 0 : index
    %get3A_46 = vector.load %arg10[%get3A_44, %get3A_45] : memref<8192x16xf32, #tpu.memory_space<vmem>>, vector<8192x16xf32>
    %reshape3A = vector.shape_cast %get3A_46 : vector<8192x16xf32> to vector<512x16x16xf32>
    %iota3A_47 = tpu.iota {dimensions = array<i32: 2>} : vector<512x16x16xi32>
    %iota3A_48 = tpu.iota {dimensions = array<i32: 1>} : vector<512x16x16xi32>
    %broadcast_in_dim3A = arith.constant 0.000000e+00 : f32
    %broadcast_in_dim3A_49 = vector.broadcast %broadcast_in_dim3A : f32 to vector<512x1x16xf32>
    %broadcast_in_dim3A_50 = arith.constant -1 : i32
    %broadcast_in_dim3A_51 = vector.broadcast %broadcast_in_dim3A_50 : i32 to vector<512x16xi32>
    %while3A = arith.constant 6.250000e-02 : f32
    %while3A_52 = arith.constant -1 : i32
    %while3A_53 = arith.constant 0 : i32
    %while3A_54:4 = scf.while (%while3A_73 = %while3A_52, %while3A_74 = %while3A_53, %while3A_75 = %broadcast_in_dim3A_49, %while3A_76 = %broadcast_in_dim3A_51) : (i32, i32, vector<512x1x16xf32>, vector<512x16xi32>) -> (i32, i32, vector<512x1x16xf32>, vector<512x16xi32>) {
      %eq3A_77 = arith.constant -1 : i32
      %eq3A_78 = arith.cmpi eq, %while3A_73, %eq3A_77 : i32
      %lt3A = arith.constant 1000 : i32
      %lt3A_79 = arith.cmpi slt, %while3A_74, %lt3A : i32
      %and3A_80 = arith.andi %eq3A_78, %lt3A_79 : i1
      scf.condition(%and3A_80) %while3A_73, %while3A_74, %while3A_75, %while3A_76 : i32, i32, vector<512x1x16xf32>, vector<512x16xi32>
    } do {
    ^bb0(%while3A_73: i32, %while3A_74: i32, %while3A_75: vector<512x1x16xf32>, %while3A_76: vector<512x16xi32>):
      %sub3A_77 = vector.broadcast %while3A_75 : vector<512x1x16xf32> to vector<512x16x16xf32>
      %sub3A_78 = arith.subf %reshape3A, %sub3A_77 : vector<512x16x16xf32>
      %reduce_max3A = arith.constant dense<0xFF800000> : vector<512x16xf32>
      %reduce_max3A_79 = vector.multi_reduction <maximumf>, %sub3A_78, %reduce_max3A [2] : vector<512x16x16xf32> to vector<512x16xf32>
      %broadcast_in_dim3A_80 = vector.shape_cast %reduce_max3A_79 : vector<512x16xf32> to vector<512x16x1xf32>
      %eq3A_81 = vector.broadcast %broadcast_in_dim3A_80 : vector<512x16x1xf32> to vector<512x16x16xf32>
      %eq3A_82 = arith.cmpf oeq, %sub3A_78, %eq3A_81 : vector<512x16x16xf32>
      %jit3A_83 = arith.constant 16 : i32
      %broadcast_in_dim3A_84 = vector.broadcast %jit3A_83 : i32 to vector<512x16x16xi32>
      %select_n3A_85 = arith.select %eq3A_82, %iota3A_47, %broadcast_in_dim3A_84 : vector<512x16x16xi1>, vector<512x16x16xi32>
      %reduce_min3A = arith.constant dense<2147483647> : vector<512x16xi32>
      %reduce_min3A_86 = vector.multi_reduction <minsi>, %select_n3A_85, %reduce_min3A [2] : vector<512x16x16xi32> to vector<512x16xi32>
      %broadcast_in_dim3A_87 = vector.shape_cast %reduce_min3A_86 : vector<512x16xi32> to vector<512x16x1xi32>
      %eq3A_88 = vector.broadcast %broadcast_in_dim3A_87 : vector<512x16x1xi32> to vector<512x16x16xi32>
      %eq3A_89 = arith.cmpi eq, %iota3A_47, %eq3A_88 : vector<512x16x16xi32>
      %jit3A_90 = arith.constant 0xFF800000 : f32
      %broadcast_in_dim3A_91 = vector.broadcast %jit3A_90 : f32 to vector<512x16x16xf32>
      %select_n3A_92 = arith.select %eq3A_89, %broadcast_in_dim3A_91, %sub3A_78 : vector<512x16x16xi1>, vector<512x16x16xf32>
      %reduce_max3A_93 = arith.constant dense<0xFF800000> : vector<512x16xf32>
      %reduce_max3A_94 = vector.multi_reduction <maximumf>, %select_n3A_92, %reduce_max3A_93 [2] : vector<512x16x16xf32> to vector<512x16xf32>
      %broadcast_in_dim3A_95 = vector.shape_cast %reduce_max3A_94 : vector<512x16xf32> to vector<512x16x1xf32>
      %sub3A_96 = arith.subf %broadcast_in_dim3A_80, %broadcast_in_dim3A_95 : vector<512x16x1xf32>
      %add3A = vector.broadcast %while3A : f32 to vector<512x16x1xf32>
      %add3A_97 = arith.addf %sub3A_96, %add3A : vector<512x16x1xf32>
      %reshape3A_98 = vector.shape_cast %while3A_76 : vector<512x16xi32> to vector<512x16x1xi32>
      %eq3A_99 = vector.broadcast %broadcast_in_dim3A_87 : vector<512x16x1xi32> to vector<512x16x16xi32>
      %eq3A_100 = arith.cmpi eq, %iota3A_47, %eq3A_99 : vector<512x16x16xi32>
      %eq3A_101 = arith.constant -1 : i32
      %eq3A_102 = vector.broadcast %eq3A_101 : i32 to vector<512x16x1xi32>
      %eq3A_103 = arith.cmpi eq, %reshape3A_98, %eq3A_102 : vector<512x16x1xi32>
      %and3A_104 = vector.broadcast %eq3A_103 : vector<512x16x1xi1> to vector<512x16x16xi1>
      %and3A_105 = arith.andi %eq3A_100, %and3A_104 : vector<512x16x16xi1>
      %jit3A_106 = arith.constant 0.000000e+00 : f32
      %broadcast_in_dim3A_107 = vector.shape_cast %add3A_97 : vector<512x16x1xf32> to vector<512x16x1xf32>
      %broadcast_in_dim3A_108 = vector.broadcast %broadcast_in_dim3A_107 : vector<512x16x1xf32> to vector<512x16x16xf32>
      %broadcast_in_dim3A_109 = vector.broadcast %jit3A_106 : f32 to vector<512x16x16xf32>
      %select_n3A_110 = arith.select %and3A_105, %broadcast_in_dim3A_108, %broadcast_in_dim3A_109 : vector<512x16x16xi1>, vector<512x16x16xf32>
      %reduce_max3A_111 = arith.constant dense<0xFF800000> : vector<512x16xf32>
      %reduce_max3A_112 = vector.multi_reduction <maximumf>, %select_n3A_110, %reduce_max3A_111 [1] : vector<512x16x16xf32> to vector<512x16xf32>
      %broadcast_in_dim3A_113 = vector.shape_cast %reduce_max3A_112 : vector<512x16xf32> to vector<512x1x16xf32>
      %gt3A = arith.constant 0.000000e+00 : f32
      %gt3A_114 = vector.broadcast %gt3A : f32 to vector<512x1x16xf32>
      %gt3A_115 = arith.cmpf ogt, %broadcast_in_dim3A_113, %gt3A_114 : vector<512x1x16xf32>
      %eq3A_116 = vector.broadcast %broadcast_in_dim3A_113 : vector<512x1x16xf32> to vector<512x16x16xf32>
      %eq3A_117 = arith.cmpf oeq, %select_n3A_110, %eq3A_116 : vector<512x16x16xf32>
      %jit3A_118 = arith.constant 16 : i32
      %broadcast_in_dim3A_119 = vector.broadcast %jit3A_118 : i32 to vector<512x16x16xi32>
      %select_n3A_120 = arith.select %eq3A_117, %iota3A_48, %broadcast_in_dim3A_119 : vector<512x16x16xi1>, vector<512x16x16xi32>
      %reduce_min3A_121 = arith.constant dense<2147483647> : vector<512x16xi32>
      %reduce_min3A_122 = vector.multi_reduction <minsi>, %select_n3A_120, %reduce_min3A_121 [1] : vector<512x16x16xi32> to vector<512x16xi32>
      %broadcast_in_dim3A_123 = vector.shape_cast %reduce_min3A_122 : vector<512x16xi32> to vector<512x1x16xi32>
      %jit3A_124 = arith.constant 0.000000e+00 : f32
      %broadcast_in_dim3A_125 = vector.broadcast %jit3A_124 : f32 to vector<512x1x16xf32>
      %select_n3A_126 = arith.select %gt3A_115, %broadcast_in_dim3A_113, %broadcast_in_dim3A_125 : vector<512x1x16xi1>, vector<512x1x16xf32>
      %add3A_127 = arith.addf %while3A_75, %select_n3A_126 : vector<512x1x16xf32>
      %jit3A_128 = arith.constant 0 : i32
      %jit3A_129 = arith.constant 15 : i32
      %max3A_130 = vector.broadcast %jit3A_128 : i32 to vector<512x16x1xi32>
      %max3A_131 = arith.maxsi %max3A_130, %reshape3A_98 : vector<512x16x1xi32>
      %min3A_132 = vector.broadcast %jit3A_129 : i32 to vector<512x16x1xi32>
      %min3A_133 = arith.minsi %min3A_132, %max3A_131 : vector<512x16x1xi32>
      %eq3A_134 = vector.broadcast %min3A_133 : vector<512x16x1xi32> to vector<512x16x16xi32>
      %eq3A_135 = arith.cmpi eq, %iota3A_47, %eq3A_134 : vector<512x16x16xi32>
      %and3A_136 = vector.broadcast %gt3A_115 : vector<512x1x16xi1> to vector<512x16x16xi1>
      %and3A_137 = arith.andi %eq3A_135, %and3A_136 : vector<512x16x16xi1>
      %jit3A_138 = arith.constant 1 : i32
      %jit3A_139 = arith.constant 0 : i32
      %broadcast_in_dim3A_140 = vector.broadcast %jit3A_138 : i32 to vector<512x16x16xi32>
      %broadcast_in_dim3A_141 = vector.broadcast %jit3A_139 : i32 to vector<512x16x16xi32>
      %select_n3A_142 = arith.select %and3A_137, %broadcast_in_dim3A_140, %broadcast_in_dim3A_141 : vector<512x16x16xi1>, vector<512x16x16xi32>
      %reduce_max3A_143 = arith.constant dense<-2147483648> : vector<512x16xi32>
      %reduce_max3A_144 = vector.multi_reduction <maxsi>, %select_n3A_142, %reduce_max3A_143 [2] : vector<512x16x16xi32> to vector<512x16xi32>
      %ge3A = arith.constant 0 : i32
      %ge3A_145 = vector.broadcast %ge3A : i32 to vector<512x16xi32>
      %ge3A_146 = arith.cmpi sge, %while3A_76, %ge3A_145 : vector<512x16xi32>
      %gt3A_147 = arith.constant 0 : i32
      %gt3A_148 = vector.broadcast %gt3A_147 : i32 to vector<512x16xi32>
      %gt3A_149 = arith.cmpi sgt, %reduce_max3A_144, %gt3A_148 : vector<512x16xi32>
      %and3A_150 = arith.andi %ge3A_146, %gt3A_149 : vector<512x16xi1>
      %jit3A_151 = arith.constant -1 : i32
      %broadcast_in_dim3A_152 = vector.broadcast %jit3A_151 : i32 to vector<512x16xi32>
      %select_n3A_153 = arith.select %and3A_150, %broadcast_in_dim3A_152, %while3A_76 : vector<512x16xi1>, vector<512x16xi32>
      %eq3A_154 = vector.broadcast %broadcast_in_dim3A_123 : vector<512x1x16xi32> to vector<512x16x16xi32>
      %eq3A_155 = arith.cmpi eq, %eq3A_154, %iota3A_48 : vector<512x16x16xi32>
      %and3A_156 = vector.broadcast %gt3A_115 : vector<512x1x16xi1> to vector<512x16x16xi1>
      %and3A_157 = arith.andi %eq3A_155, %and3A_156 : vector<512x16x16xi1>
      %jit3A_158 = arith.constant 16 : i32
      %broadcast_in_dim3A_159 = vector.broadcast %jit3A_158 : i32 to vector<512x16x16xi32>
      %select_n3A_160 = arith.select %and3A_157, %iota3A_47, %broadcast_in_dim3A_159 : vector<512x16x16xi1>, vector<512x16x16xi32>
      %reduce_min3A_161 = arith.constant dense<2147483647> : vector<512x16xi32>
      %reduce_min3A_162 = vector.multi_reduction <minsi>, %select_n3A_160, %reduce_min3A_161 [2] : vector<512x16x16xi32> to vector<512x16xi32>
      %lt3A = arith.constant 16 : i32
      %lt3A_163 = vector.broadcast %lt3A : i32 to vector<512x16xi32>
      %lt3A_164 = arith.cmpi slt, %reduce_min3A_162, %lt3A_163 : vector<512x16xi32>
      %select_n3A_165 = arith.select %lt3A_164, %reduce_min3A_162, %select_n3A_153 : vector<512x16xi1>, vector<512x16xi32>
      %reduce_min3A_166 = vector.shape_cast %select_n3A_165 : vector<512x16xi32> to vector<1x512x16xi32>
      %reduce_min3A_167 = arith.constant dense<2147483647> : vector<1xi32>
      %reduce_min3A_168 = vector.multi_reduction <minsi>, %reduce_min3A_166, %reduce_min3A_167 [1, 2] : vector<1x512x16xi32> to vector<1xi32>
      %reduce_min3A_169 = vector.shape_cast %reduce_min3A_168 : vector<1xi32> to vector<1x1x1xi32>
      %reduce_min3A_170 = vector.extract %reduce_min3A_169[0, 0, 0] : i32 from vector<1x1x1xi32>
      %add3A_171 = arith.constant 1 : i32
      %add3A_172 = arith.addi %while3A_74, %add3A_171 : i32
      scf.yield %reduce_min3A_170, %add3A_172, %add3A_127, %select_n3A_165 : i32, i32, vector<512x1x16xf32>, vector<512x16xi32>
    }
    %jit3A_55 = arith.constant 0 : i32
    %jit3A_56 = arith.constant 15 : i32
    %max3A = vector.broadcast %jit3A_55 : i32 to vector<512x16xi32>
    %max3A_57 = arith.maxsi %max3A, %while3A_54#3 : vector<512x16xi32>
    %min3A = vector.broadcast %jit3A_56 : i32 to vector<512x16xi32>
    %min3A_58 = arith.minsi %min3A, %max3A_57 : vector<512x16xi32>
    %reshape3A_59 = vector.shape_cast %min3A_58 : vector<512x16xi32> to vector<512x16x1xi32>
    %eq3A = vector.broadcast %reshape3A_59 : vector<512x16x1xi32> to vector<512x16x16xi32>
    %eq3A_60 = arith.cmpi eq, %iota3A_47, %eq3A : vector<512x16x16xi32>
    %jit3A_61 = arith.constant 0.000000e+00 : f32
    %broadcast_in_dim3A_62 = vector.broadcast %jit3A_61 : f32 to vector<512x16x16xf32>
    %select_n3A_63 = arith.select %eq3A_60, %reshape3A, %broadcast_in_dim3A_62 : vector<512x16x16xi1>, vector<512x16x16xf32>
    %reduce_sum3A = arith.constant dense<0.000000e+00> : vector<512x16xf32>
    %reduce_sum3A_64 = vector.multi_reduction <add>, %select_n3A_63, %reduce_sum3A [2] : vector<512x16x16xf32> to vector<512x16xf32>
    %reduce_sum3A_65 = arith.constant dense<0.000000e+00> : vector<512xf32>
    %reduce_sum3A_66 = vector.multi_reduction <add>, %reduce_sum3A_64, %reduce_sum3A_65 [1] : vector<512x16xf32> to vector<512xf32>
    %broadcast_in_dim3A_67 = vector.shape_cast %reduce_sum3A_66 : vector<512xf32> to vector<512x1xf32>
    %div3A_68 = arith.constant 1.600000e+01 : f32
    %div3A_69 = vector.broadcast %div3A_68 : f32 to vector<512x1xf32>
    %div3A_70 = arith.divf %broadcast_in_dim3A_67, %div3A_69 : vector<512x1xf32>
    %swap3A = arith.constant 0 : index
    %swap3A_71 = arith.constant 0 : index
    %swap3A_72 = vector.load %arg9[%swap3A, %swap3A_71] : memref<512x1xf32, #tpu.memory_space<vmem>>, vector<512x1xf32>
    tpu.vector_store %arg9[%swap3A, %swap3A_71], %div3A_70 {strides = array<i32>} : memref<512x1xf32, #tpu.memory_space<vmem>>, vector<512x1xf32>,
    return
  }
}

</mosaic_0001>

<sc_bundles>
// kernel: kernel.10.cloned.1.call-start
scs
__scs_entry_jumppad:
0x0: {  	(pc) =	sbr.rel $0x88, $3  }
0x1: {  	(tag) =	ssettag $0x0;
	lr =	simm.s32 $0x1  }
0x2: {  	[smem:$0x3F96] =	sst lr;
	_ =	strace $0xD0000000  }
0x3: {  	_ = 	snop  }
0x4: {  	_ = 	snop  }
0x5: {  	_ = 	snop  }
0x6: {  	_ = 	snop  }
0x7: {  	_ = 	snop  }
__scs_overlays_trampoline_lowered:
0x8: {  	[smem:$0x3FA5] =	sst s0  }
0x9: {  	[smem:$0x3FA6] =	sst s1  }
0xa: {  	[smem:$0x3FA7] =	sst s2  }
0xb: {  	[smem:$0x3FA8] =	sst s3  }
0xc: {  	[smem:$0x3FA9] =	sst s4  }
0xd: {  	[smem:$0x3FAA] =	sst s5  }
0xe: {  	[smem:$0x3FAB] =	sst s6  }
0xf: {  	[smem:$0x3FAC] =	sst s7  }
0x10: {  	[smem:$0x3FAD] =	sst s8  }
0x11: {  	[smem:$0x3FAE] =	sst s9;
	s0 =	simm.s32 @!p0 $0x0  }
0x12: {  	s1 =	sld [smem:$0x3F94];
	s0 =	simm.s32 @p0 $0x1  }
0x13: {  	[smem:$0x3FAF] =	sst s0;
	s0 =	simm.s32 @!p1 $0x0  }
0x14: {  	s2 =	sld [smem:$0x3F93];
	s0 =	simm.s32 @p1 $0x1  }
0x15: {  	[smem:$0x3FB0] =	sst s0;
	s0 =	simm.s32 @!p2 $0x0  }
0x16: {  	s3 =	sld [smem:$0x3FDB];
	s0 =	simm.s32 @p2 $0x1  }
0x17: {  	s4 =	simm.s32 $0x1BF5;
	[smem:$0x3FB2] =	sst s0  }
0x18: {  	s0 =	sld [smem:$0x3F95];
	_ =	swait.ge [sflag:s4], $0x0  }
0x19: {  	s7 =	sld [smem:$0x3F96]  }
0x1a: {  	s8 =	sadd.s32 $0xFFFFE003, lr  }
0x1b: {  	s9 =	sadd.s32 $0xFFFFFEF7, lr;
	s5 =	simm.s32 $0xFFFFFFFF;
	p2 =	slt.u32 s8, $0xFFFFF086  }
0x1c: {  	p1 =	slt.u32 s9, $0xF7A;
	s5 =	simm.s32 @!p2 $0x0  }
0x1d: {  	s5 =	simm.s32 @p1 $0x1;
	p0 =	seq.s32 s7, s2  }
0x1e: {  	s7 =	smul.u32 @!p0 $0xF7A, s2;
	p2 =	seq.s32 @!p0 s5, $0x0  }
0x1f: {  	s9 =	smul.u32 $0xF7A, s1;
	s8 =	simm.s32 @!p0 $0x1BF5;
	p2 =	por !p2, p0  }
0x20: {  	[sflag:s8] =	ssyncset.s32 @!p0 $0xFFFFF086;
	s6 =	sadd.s32 @!p0 s3, s7;
	s7 =	simm.s32 @!p0 $0x108  }
0x21: {  	s3 =	sadd.s32 s3, s9;
	s6 =	sadd.s32 @!p0 $0x88, s6;
	s7 =	simm.s32 @p2 $0x1082  }
0x22: {  	[simem:s7], [sflag:s8] =	dma.local @!p0 [hbm:s6], $0xF7A  }
0x23: {  	s9 =	sor.u32 $0xD0000000, s2;
	s6 =	simm.s32 $0x108;
	_ =	swait.ge @!p0 [sflag:s8], $0x0  }
0x24: {  	s3 =	sadd.s32 $0x88, s3;
	s6 =	simm.s32 @!p1 $0x1082;
	[sflag:s4] =	ssyncset.s32 $0xFFFFF086  }
0x25: {  	[simem:s6], [sflag:s4] =	dma.local [hbm:s3], $0xF7A  }
0x26: {  	[smem:$0x3F96] =	sst s1;
	(tag) =	ssettag s2;
	_ =	strace s9  }
0x27: {  	s1 =	sld [smem:$0x3FA6]  }
0x28: {  	s2 =	sld [smem:$0x3FA7]  }
0x29: {  	s4 =	sld [smem:$0x3FA9]  }
0x2a: {  	p0 =	seq.s32 s5, $0x0;
	s5 =	sld [smem:$0x3FAA]  }
0x2b: {  	s6 =	sld [smem:$0x3FAB]  }
0x2c: {  	s7 =	sld [smem:$0x3FAC]  }
0x2d: {  	s3 =	simm.s32 $0x108;
	s8 =	sld [smem:$0x3FAD]  }
0x2e: {  	s3 =	simm.s32 @!p0 $0x1082;
	s9 =	sld [smem:$0x3FAE]  }
0x2f: {  	lr =	sadd.s32 s0, s3;
	s0 =	sld [smem:$0x3FA5]  }
0x30: {  	s3 =	sld [smem:$0x3FA8]  }
0x31: {  	[smem:$0x3FB1] =	sst s10  }
0x32: {  	s10 =	sld [smem:$0x3FAF];
	_ =	sdelay $0x3  }
0x33: {  	p0 =	seq.s32 s10, $0x1;
	s10 =	sld [smem:$0x3FB1];
	_ =	sdelay $0x3  }
0x34: {  	[smem:$0x3FB1] =	sst s10  }
0x35: {  	s10 =	sld [smem:$0x3FB0];
	_ =	sdelay $0x3  }
0x36: {  	p1 =	seq.s32 s10, $0x1;
	s10 =	sld [smem:$0x3FB1];
	_ =	sdelay $0x3  }
0x37: {  	[smem:$0x3FB1] =	sst s10  }
0x38: {  	s10 =	sld [smem:$0x3FB2]  }
0x39: {  	_ = 	snop;
	(pc) =	sbr.ind lr, $3  }
0x3a: {  	_ = 	snop  }
0x3b: {  	_ = 	snop  }
0x3c: {  	p2 =	seq.s32 s10, $0x1;
	s10 =	sld [smem:$0x3FB1]  }
0x3d: {  	_ =	shalt  }
0x3e: {  	_ =	shalt  }
0x3f: {  	_ =	shalt  }
0x40: {  	_ =	shalt  }
0x41: {  	_ =	shalt  }
0x42: {  	_ =	shalt  }
0x43: {  	_ =	shalt  }
0x44: {  	_ =	shalt  }
0x45: {  	_ =	shalt  }
0x46: {  	_ =	shalt  }
0x47: {  	_ =	shalt  }
0x48: {  	_ =	shalt  }
0x49: {  	_ =	shalt  }
0x4a: {  	_ =	shalt  }
0x4b: {  	_ =	shalt  }
0x4c: {  	_ =	shalt  }
0x4d: {  	_ =	shalt  }
0x4e: {  	_ =	shalt  }
0x4f: {  	_ =	shalt  }
0x50: {  	_ =	shalt  }
0x51: {  	_ =	shalt  }
0x52: {  	_ =	shalt  }
0x53: {  	_ =	shalt  }
0x54: {  	_ =	shalt  }
0x55: {  	_ =	shalt  }
0x56: {  	_ =	shalt  }
0x57: {  	_ =	shalt  }
0x58: {  	_ =	shalt  }
0x59: {  	_ =	shalt  }
0x5a: {  	_ =	shalt  }
0x5b: {  	_ =	shalt  }
0x5c: {  	_ =	shalt  }
0x5d: {  	_ =	shalt  }
0x5e: {  	_ =	shalt  }
0x5f: {  	_ =	shalt  }
0x60: {  	_ =	shalt  }
0x61: {  	_ =	shalt  }
0x62: {  	_ =	shalt  }
0x63: {  	_ =	shalt  }
0x64: {  	_ =	shalt  }
0x65: {  	_ =	shalt  }
0x66: {  	_ =	shalt  }
0x67: {  	_ =	shalt  }
0x68: {  	_ =	shalt  }
0x69: {  	_ =	shalt  }
0x6a: {  	_ =	shalt  }
0x6b: {  	_ =	shalt  }
0x6c: {  	_ =	shalt  }
0x6d: {  	_ =	shalt  }
0x6e: {  	_ =	shalt  }
0x6f: {  	_ =	shalt  }
0x70: {  	_ =	shalt  }
0x71: {  	_ =	shalt  }
0x72: {  	_ =	shalt  }
0x73: {  	_ =	shalt  }
0x74: {  	_ =	shalt  }
0x75: {  	_ =	shalt  }
0x76: {  	_ =	shalt  }
0x77: {  	_ =	shalt  }
0x78: {  	_ =	shalt  }
0x79: {  	_ =	shalt  }
0x7a: {  	_ =	shalt  }
0x7b: {  	_ =	shalt  }
0x7c: {  	_ =	shalt  }
0x7d: {  	_ =	shalt  }
0x7e: {  	_ =	shalt  }
0x7f: {  	_ =	shalt  }
0x80: {  	_ =	shalt  }
0x81: {  	_ =	shalt  }
0x82: {  	_ =	shalt  }
0x83: {  	_ =	shalt  }
0x84: {  	_ =	shalt  }
0x85: {  	_ =	shalt  }
0x86: {  	_ =	shalt  }
0x87: {  	_ =	shalt  }
.Lfunc_end0:
.L_simem_size_0:
called_computation.1_lowered:
.L_overlay_start_0:
0x88: {  	s2 =	sld [smem:$0x3FD9]  }
0x89: {  	s3 =	sld [smem:$0x3FFE];
	_ =	sdelay $0x1  }
0x8a: {  	s1 =	srdreg.scid  }
0x8b: {  	s0 =	sand.u32 $0x1, s1  }
0x8c: {  	s16 =	sshll.u32 s0, $0xA;
	s2 =	sadd.s32 s3, s2  }
0x8d: {  	s2 =	sadd.s32 s2, s16  }
0x8e: {  	[smem:$0x3FBD] =	sst s2  }
0x8f: {  	_ = 	snop  }
0x90: {  	(tm) =	ssettm $0x1  }
0x91: {  	s17 =	sld [smem:$0x3FFB];
	_ =	sdelay $0x3  }
0x92: {  	_ =	strace s17  }
0x93: {  	s2 =	sld [smem:$0x3FFC];
	_ =	sdelay $0x3  }
0x94: {  	_ =	strace s2  }
0x95: {  	s2 =	sld [smem:$0x3FFD];
	_ =	sdelay $0x3  }
0x96: {  	_ =	strace s2  }
0x97: {  	_ =	strace $0x8FFFFFFF  }
0x98: {  	s18 =	sld [smem:$0x3FDB];
	_ =	sdelay $0x1  }
0x99: {  	s19 =	simm.s32 $_scs_section_size  }
0x9a: {  	s4 =	simm.s32 $_size__tile_overlayer_lowered;
	s5 =	simm.s32 $_tile_overlayer_lowered  }
0x9b: {  	s22 =	simm.s32 $0x1BFF;
	s21 =	sshll.u32 s5, $0x1;
	s2 =	sadd.s32 s19, s18  }
0x9c: {  	s6 =	simm.s32 $0x0;
	s20 =	sshll.u32 s4, $0x1;
	s4 =	sadd.s32 s21, s2  }
0x9d: {  	[timem:s6], [sflag:s22] =	dma.local [hbm:s4], s20  }
0x9e: {  	_ =	swait.ge [sflag:s22], s20  }
0x9f: {  	s3 =	ssub.s32 $0x0, s20;
	[sflag:s22] =	ssyncset.done $0x0  }
0xa0: {  	[sflag:s22] =	ssyncadd.s32 s3;
	_ =	sdelay $0x1  }
0xa1: {  	s23 =	simm.s32 $0x1B8B  }
0xa2: {  	_ =	swait.ge [sflag:s23], $0x1  }
0xa3: {  	[sflag:s23] =	ssyncset.done $0x0  }
0xa4: {  	s25 =	simm.s32 $0x1B8E;
	s24 =	sld [smem:$0x3FFE];
	[sflag:s23] =	ssyncadd.s32 $0xFFFFFFFF  }
0xa5: {  	s26 =	simm.s32 $execute0_lowered;
	[smem:$0x3FD2] =	sst s25  }
0xa6: {  	s4 =	sshll.u32 s26, $0x1;
	_ =	strace $0x80000049;
	[dreg:$0x1] =	wrdreg $0xFFFFFFFF  }
0xa7: {  	s28 =	simm.s32 $_size_execute0_lowered;
	s2 =	sadd.s32 s2, s4;
	[dreg:$0x0] =	wrdreg $0x0  }
0xa8: {  	s4 =	sshll.u32 s28, $0x1;
	[dreg:$0x2] =	wrdreg s2  }
0xa9: {  	[dreg:$0x3] =	wrdreg s4  }
0xaa: {  	[dreg:$0x4] =	wrdreg $0xC0  }
0xab: {  	_ =	task [dreg:s6], $0x5FFFF  }
0xac: {  	[dreg:$0x1] =	wrdreg $0xFFFFFFFF  }
0xad: {  	[dreg:$0x0] =	wrdreg $0x60  }
0xae: {  	[dreg:$0x2] =	wrdreg s24  }
0xaf: {  	[dreg:$0x3] =	wrdreg $0x9  }
0xb0: {  	_ =	task.clear_ibuf [dreg:s6], $0x4FFFF;
	_ =	strace $0x90000049  }
0xb1: {  	s29 =	simm.s32 $0x9;
	_ =	strace $0x8000004B  }
0xb2: {  	_ =	swait.ge [sflag:s29], $0x1  }
0xb3: {  	[sflag:s29] =	ssyncadd.s32 $0xFFFFFFFF  }
0xb4: {  	_ =	strace $0x9000004B  }
0xb5: {  	_ =	sfence  }
0xb6: {  	s30 =	sld [smem:$0x0];
	_ =	sdelay $0x2  }
0xb7: {  	s31 =	sshll.u32 s1, $0xD;
	s1 =	sshrl.u32 s1, $0x2  }
0xb8: {  	s3 =	sand.u32 $0x4000, s31;
	s1 =	sadd.s32 s1, s30  }
0xb9: {  	s0 =	sor.u32 s3, s0;
	s1 =	sshll.u32 s1, $0x11  }
0xba: {  	s0 =	sor.u32 s1, s0  }
0xbb: {  	s0 =	sadd.s32 $0x8F2B, s0  }
0xbc: {  	[sflag:s0] =	ssyncadd.remote.s32 $0x1  }
0xbd: {  	_ =	sfence.sel $0xFFFF  }
0xbe: {  	[dreg:$0x0] =	wrdreg $0xFFFFFFFF;
	(pc) =	sbr.abs _section_cstart, $3  }
0xbf: {  	[dreg:$0x1] =	wrdreg $0xFFFFFFFF  }
0xc0: {  	_ =	task.clear_ibuf [dreg:s6], $0x2FFFF;
	_ =	strace $0x9FFFFFFF  }
0xc1: {  	(tm) =	ssettm $0x7FFFFFFF  }
tec
execute0_lowered:
.L_overlay_start_1:
0x0: {  	(tag) =	ssettag $0x1  }
0x1: {  	s1 =	srdreg.scid;
	s0 =	stileid.u32  }
0x2: {  	s3 =	rddreg [dreg:$0x0];
	s2 =	simm.s32 $0x0;
	s19 =	simm.s32 $0x900  }
0x3: {  	s20 =	simm.s32 $0x1100;
	s21 =	simm.s32 $0x1900;
	s23 =	simm.s32 $0x2100  }
0x4: {  	s24 =	simm.s32 $0x2900;
	s25 =	simm.s32 $0x3100;
	s26 =	simm.s32 $0x3900  }
0x5: {  	s6 =	simm.s32 $0x100;
	s8 =	simm.s32 $0x4900;
	s9 =	simm.s32 $0x5100  }
0x6: {  	s10 =	simm.s32 $0x5900;
	s11 =	simm.s32 $0x6100;
	s12 =	simm.s32 $0x6900  }
0x7: {  	s13 =	simm.s32 $0x7100;
	s14 =	simm.s32 $0x7900;
	[smem:$0x7FF] =	sst s2  }
0x8: {  	s15 =	simm.s32 $0x8100;
	_ =	strace $0x8000004A;
	[dreg:$0x4] =	wrdreg s19  }
0x9: {  	s16 =	simm.s32 $0x8900;
	s17 =	simm.s32 $0x9100;
	[dreg:$0x5] =	wrdreg s20  }
0xa: {  	s28 =	simm.s32 $0xE100;
	s29 =	simm.s32 $0xE900;
	[dreg:$0x6] =	wrdreg s21  }
0xb: {  	s30 =	simm.s32 $0xF100;
	s31 =	simm.s32 $0xF900;
	[dreg:$0x7] =	wrdreg s23  }
0xc: {  	s1 =	sand.u32 $0x1, s1;
	s4 =	sshll.u32 s0, $0x9;
	[dreg:$0x8] =	wrdreg s24  }
0xd: {  	s5 =	sshll.u32 s1, $0x8;
	s1 =	ssub.s32 $0x2, s1;
	[dreg:$0x9] =	wrdreg s25  }
0xe: {  	[dreg:$0xa] =	wrdreg s26;
	s19 =	simm.s32 $0xA100;
	s20 =	simm.s32 $0xA900  }
0xf: {  	s21 =	simm.s32 $0xB100;
	s23 =	simm.s32 $0xC100;
	s24 =	simm.s32 $0xC900  }
0x10: {  	s25 =	simm.s32 $0xD100;
	s26 =	simm.s32 $0xD900;
	s4 =	sor.u32 s5, s4  }
0x11: {  	s22 =	sshrl.u32 s1, $0x1;
	s5 =	sshll.u32 s4, $0x5;
	s4 =	sshrl.u32 s4, $0x3  }
0x12: {  	s1 =	ssub.s32 s1, s22;
	s22 =	simm.s32 $0xB900;
	s4 =	sadd.s32 s3, s4  }
0x13: {  	v2 =	vlaneseq.u32;
	s5 =	sadd.s32 s5, s3;
	s3 =	sadd.s32 $0x30D600, s3;
	[dreg:$0x2] =	wrdreg s4  }
0x14: {  	vm0 =	vmmov $0xffff;
	v1 =	vshrl.u32 v2, $0x3;
	s18 =	sadd.s32 $0x400, s5;
	s4 =	smax.u32 s1, $0x1;
	s5 =	simm.s32 $0x2  }
0x15: {  	v0 =	vand.u32 $0x7, v2;
	v2 =	vor.u32 $0x8, v2;
	v1 =	vmul.u32 $0x8, v1;
	s1 =	simm.s32 $0x1;
	[dreg:$0x3] =	wrdreg s18;
	s18 =	simm.s32 $0x9900  }
.LBB2_1:
0x16: {  	s0 =	rddreg [dreg:$0x2]  }
0x17: {  	[tilespmem:s2], [sflag:$0x2] =	stream.linear.gather [hbm4b:s0+s2], $0x100, $0x38;
	[tilespmem:$0x10100] =	vst v63  }
0x18: {  	_ =	swait.ge [sflag:s5], $0x100  }
0x19: {  	[sflag:s5] =	ssyncset.done $0x0  }
0x1a: {  	[sflag:s5] =	ssyncadd.s32 $0xFFFFFF00  }
0x1b: {  	v3 =	vld [tilespmem:$0x0];
	_ =	sdelay $0x4  }
0x1c: {  	v4 =	vshll.u32 v3, $0x1  }
0x1d: {  	v3 =	vand.u32 $0x7, v3;
	v4 =	vand.u32 $0xFFFFFFF0, v4  }
0x1e: {  	v3 =	vor.u32 v3, v4  }
0x1f: {  	v4 =	vperm.xlane v3, v0;
	_ =	sdelay $0x1  }
0x20: {  	v3 =	vperm.xlane v3, v2;
	v4 =	vadd.s32 v1, v4;
	_ =	sdelay $0x1  }
0x21: {  	v3 =	vadd.s32 v1, v3;
	_ =	sdelay $0x2  }
0x22: {  	[tilespmem:s6], [sflag:$0x1] =	stream.indirect_vreg.gather [hbm4b:s3+s2], $0x80, v4, vm0, $0xb8;
	[tilespmem:$0x10100] =	vst v63  }
0x23: {  	s7 =	rddreg [dreg:$0x4]  }
0x24: {  	[tilespmem:s7], [sflag:$0x1] =	stream.indirect_vreg.gather [hbm4b:s3+s2], $0x80, v3, vm0, $0xb8;
	[tilespmem:$0x10100] =	vst v63  }
0x25: {  	v3 =	vld [tilespmem:$0x10];
	_ =	sdelay $0x4  }
0x26: {  	v49 =	vshll.u32 v3, $0x1  }
0x27: {  	v3 =	vand.u32 $0x7, v3;
	v4 =	vand.u32 $0xFFFFFFF0, v49  }
0x28: {  	v3 =	vor.u32 v3, v4  }
0x29: {  	v4 =	vperm.xlane v3, v0;
	_ =	sdelay $0x1  }
0x2a: {  	v3 =	vperm.xlane v3, v2;
	v4 =	vadd.s32 v1, v4;
	_ =	sdelay $0x1  }
0x2b: {  	v3 =	vadd.s32 v1, v3;
	_ =	sdelay $0x1  }
0x2c: {  	s0 =	rddreg [dreg:$0x5]  }
0x2d: {  	[tilespmem:s0], [sflag:$0x1] =	stream.indirect_vreg.gather [hbm4b:s3+s2], $0x80, v4, vm0, $0xb8;
	[tilespmem:$0x10100] =	vst v63  }
0x2e: {  	s7 =	rddreg [dreg:$0x6]  }
0x2f: {  	[tilespmem:s7], [sflag:$0x1] =	stream.indirect_vreg.gather [hbm4b:s3+s2], $0x80, v3, vm0, $0xb8;
	[tilespmem:$0x10100] =	vst v63  }
0x30: {  	v3 =	vld [tilespmem:$0x20];
	_ =	sdelay $0x4  }
0x31: {  	v50 =	vshll.u32 v3, $0x1  }
0x32: {  	v3 =	vand.u32 $0x7, v3;
	v4 =	vand.u32 $0xFFFFFFF0, v50  }
0x33: {  	v3 =	vor.u32 v3, v4  }
0x34: {  	v4 =	vperm.xlane v3, v0;
	_ =	sdelay $0x1  }
0x35: {  	v3 =	vperm.xlane v3, v2;
	v4 =	vadd.s32 v1, v4;
	_ =	sdelay $0x1  }
0x36: {  	v3 =	vadd.s32 v1, v3;
	_ =	sdelay $0x1  }
0x37: {  	s0 =	rddreg [dreg:$0x7]  }
0x38: {  	[tilespmem:s0], [sflag:$0x1] =	stream.indirect_vreg.gather [hbm4b:s3+s2], $0x80, v4, vm0, $0xb8;
	[tilespmem:$0x10100] =	vst v63  }
0x39: {  	s7 =	rddreg [dreg:$0x8]  }
0x3a: {  	[tilespmem:s7], [sflag:$0x1] =	stream.indirect_vreg.gather [hbm4b:s3+s2], $0x80, v3, vm0, $0xb8;
	[tilespmem:$0x10100] =	vst v63  }
0x3b: {  	v3 =	vld [tilespmem:$0x30];
	_ =	sdelay $0x4  }
0x3c: {  	v51 =	vshll.u32 v3, $0x1  }
0x3d: {  	v3 =	vand.u32 $0x7, v3;
	v4 =	vand.u32 $0xFFFFFFF0, v51  }
0x3e: {  	v3 =	vor.u32 v3, v4  }
0x3f: {  	v4 =	vperm.xlane v3, v0;
	_ =	sdelay $0x1  }
0x40: {  	v3 =	vperm.xlane v3, v2;
	v4 =	vadd.s32 v1, v4;
	_ =	sdelay $0x1  }
0x41: {  	v3 =	vadd.s32 v1, v3;
	_ =	sdelay $0x1  }
0x42: {  	s0 =	rddreg [dreg:$0x9]  }
0x43: {  	[tilespmem:s0], [sflag:$0x1] =	stream.indirect_vreg.gather [hbm4b:s3+s2], $0x80, v4, vm0, $0xb8;
	[tilespmem:$0x10100] =	vst v63  }
0x44: {  	s7 =	rddreg [dreg:$0xa]  }
0x45: {  	[tilespmem:s7], [sflag:$0x1] =	stream.indirect_vreg.gather [hbm4b:s3+s2], $0x80, v3, vm0, $0xb8;
	[tilespmem:$0x10100] =	vst v63  }
0x46: {  	v3 =	vld [tilespmem:$0x40];
	_ =	sdelay $0x4  }
0x47: {  	v52 =	vshll.u32 v3, $0x1  }
0x48: {  	v3 =	vand.u32 $0x7, v3;
	v4 =	vand.u32 $0xFFFFFFF0, v52  }
0x49: {  	v3 =	vor.u32 v3, v4  }
0x4a: {  	v4 =	vperm.xlane v3, v0;
	_ =	sdelay $0x1  }
0x4b: {  	v3 =	vperm.xlane v3, v2;
	v4 =	vadd.s32 v1, v4;
	_ =	sdelay $0x1  }
0x4c: {  	v3 =	vadd.s32 v1, v3;
	_ =	sdelay $0x1  }
0x4d: {  	s7 =	simm.s32 $0x4100  }
0x4e: {  	[tilespmem:s7], [sflag:$0x1] =	stream.indirect_vreg.gather [hbm4b:s3+s2], $0x80, v4, vm0, $0xb8;
	[tilespmem:$0x10100] =	vst v63  }
0x4f: {  	_ = 	snop  }
0x50: {  	[tilespmem:s8], [sflag:$0x1] =	stream.indirect_vreg.gather [hbm4b:s3+s2], $0x80, v3, vm0, $0xb8;
	[tilespmem:$0x10100] =	vst v63  }
0x51: {  	v3 =	vld [tilespmem:$0x50];
	_ =	sdelay $0x4  }
0x52: {  	v53 =	vshll.u32 v3, $0x1  }
0x53: {  	v3 =	vand.u32 $0x7, v3;
	v4 =	vand.u32 $0xFFFFFFF0, v53  }
0x54: {  	v3 =	vor.u32 v3, v4  }
0x55: {  	v4 =	vperm.xlane v3, v0;
	_ =	sdelay $0x1  }
0x56: {  	v3 =	vperm.xlane v3, v2;
	v4 =	vadd.s32 v1, v4;
	_ =	sdelay $0x1  }
0x57: {  	v3 =	vadd.s32 v1, v3;
	_ =	sdelay $0x2  }
0x58: {  	[tilespmem:s9], [sflag:$0x1] =	stream.indirect_vreg.gather [hbm4b:s3+s2], $0x80, v4, vm0, $0xb8;
	[tilespmem:$0x10100] =	vst v63  }
0x59: {  	_ = 	snop  }
0x5a: {  	[tilespmem:s10], [sflag:$0x1] =	stream.indirect_vreg.gather [hbm4b:s3+s2], $0x80, v3, vm0, $0xb8;
	[tilespmem:$0x10100] =	vst v63  }
0x5b: {  	v3 =	vld [tilespmem:$0x60];
	_ =	sdelay $0x4  }
0x5c: {  	v54 =	vshll.u32 v3, $0x1  }
0x5d: {  	v3 =	vand.u32 $0x7, v3;
	v4 =	vand.u32 $0xFFFFFFF0, v54  }
0x5e: {  	v3 =	vor.u32 v3, v4  }
0x5f: {  	v4 =	vperm.xlane v3, v0;
	_ =	sdelay $0x1  }
0x60: {  	v3 =	vperm.xlane v3, v2;
	v4 =	vadd.s32 v1, v4;
	_ =	sdelay $0x1  }
0x61: {  	v3 =	vadd.s32 v1, v3;
	_ =	sdelay $0x2  }
0x62: {  	[tilespmem:s11], [sflag:$0x1] =	stream.indirect_vreg.gather [hbm4b:s3+s2], $0x80, v4, vm0, $0xb8;
	[tilespmem:$0x10100] =	vst v63  }
0x63: {  	_ = 	snop  }
0x64: {  	[tilespmem:s12], [sflag:$0x1] =	stream.indirect_vreg.gather [hbm4b:s3+s2], $0x80, v3, vm0, $0xb8;
	[tilespmem:$0x10100] =	vst v63  }
0x65: {  	v3 =	vld [tilespmem:$0x70];
	_ =	sdelay $0x4  }
0x66: {  	v55 =	vshll.u32 v3, $0x1  }
0x67: {  	v3 =	vand.u32 $0x7, v3;
	v4 =	vand.u32 $0xFFFFFFF0, v55  }
0x68: {  	v3 =	vor.u32 v3, v4  }
0x69: {  	v4 =	vperm.xlane v3, v0;
	_ =	sdelay $0x1  }
0x6a: {  	v3 =	vperm.xlane v3, v2;
	v4 =	vadd.s32 v1, v4;
	_ =	sdelay $0x1  }
0x6b: {  	v3 =	vadd.s32 v1, v3;
	_ =	sdelay $0x2  }
0x6c: {  	[tilespmem:s13], [sflag:$0x1] =	stream.indirect_vreg.gather [hbm4b:s3+s2], $0x80, v4, vm0, $0xb8;
	[tilespmem:$0x10100] =	vst v63  }
0x6d: {  	_ = 	snop  }
0x6e: {  	[tilespmem:s14], [sflag:$0x1] =	stream.indirect_vreg.gather [hbm4b:s3+s2], $0x80, v3, vm0, $0xb8;
	[tilespmem:$0x10100] =	vst v63  }
0x6f: {  	v3 =	vld [tilespmem:$0x80];
	_ =	sdelay $0x4  }
0x70: {  	v56 =	vshll.u32 v3, $0x1  }
0x71: {  	v3 =	vand.u32 $0x7, v3;
	v4 =	vand.u32 $0xFFFFFFF0, v56  }
0x72: {  	v3 =	vor.u32 v3, v4  }
0x73: {  	v4 =	vperm.xlane v3, v0;
	_ =	sdelay $0x1  }
0x74: {  	v3 =	vperm.xlane v3, v2;
	v4 =	vadd.s32 v1, v4;
	_ =	sdelay $0x1  }
0x75: {  	v3 =	vadd.s32 v1, v3;
	_ =	sdelay $0x2  }
0x76: {  	[tilespmem:s15], [sflag:$0x1] =	stream.indirect_vreg.gather [hbm4b:s3+s2], $0x80, v4, vm0, $0xb8;
	[tilespmem:$0x10100] =	vst v63  }
0x77: {  	_ = 	snop  }
0x78: {  	[tilespmem:s16], [sflag:$0x1] =	stream.indirect_vreg.gather [hbm4b:s3+s2], $0x80, v3, vm0, $0xb8;
	[tilespmem:$0x10100] =	vst v63  }
0x79: {  	v3 =	vld [tilespmem:$0x90];
	_ =	sdelay $0x4  }
0x7a: {  	v57 =	vshll.u32 v3, $0x1  }
0x7b: {  	v3 =	vand.u32 $0x7, v3;
	v4 =	vand.u32 $0xFFFFFFF0, v57  }
0x7c: {  	v3 =	vor.u32 v3, v4  }
0x7d: {  	v4 =	vperm.xlane v3, v0;
	_ =	sdelay $0x1  }
0x7e: {  	v3 =	vperm.xlane v3, v2;
	v4 =	vadd.s32 v1, v4;
	_ =	sdelay $0x1  }
0x7f: {  	v3 =	vadd.s32 v1, v3;
	_ =	sdelay $0x2  }
0x80: {  	[tilespmem:s17], [sflag:$0x1] =	stream.indirect_vreg.gather [hbm4b:s3+s2], $0x80, v4, vm0, $0xb8;
	[tilespmem:$0x10100] =	vst v63  }
0x81: {  	_ = 	snop  }
0x82: {  	[tilespmem:s18], [sflag:$0x1] =	stream.indirect_vreg.gather [hbm4b:s3+s2], $0x80, v3, vm0, $0xb8;
	[tilespmem:$0x10100] =	vst v63  }
0x83: {  	v3 =	vld [tilespmem:$0xA0];
	_ =	sdelay $0x4  }
0x84: {  	v58 =	vshll.u32 v3, $0x1  }
0x85: {  	v3 =	vand.u32 $0x7, v3;
	v4 =	vand.u32 $0xFFFFFFF0, v58  }
0x86: {  	v3 =	vor.u32 v3, v4  }
0x87: {  	v4 =	vperm.xlane v3, v0;
	_ =	sdelay $0x1  }
0x88: {  	v3 =	vperm.xlane v3, v2;
	v4 =	vadd.s32 v1, v4;
	_ =	sdelay $0x1  }
0x89: {  	v3 =	vadd.s32 v1, v3;
	_ =	sdelay $0x2  }
0x8a: {  	[tilespmem:s19], [sflag:$0x1] =	stream.indirect_vreg.gather [hbm4b:s3+s2], $0x80, v4, vm0, $0xb8;
	[tilespmem:$0x10100] =	vst v63  }
0x8b: {  	_ = 	snop  }
0x8c: {  	[tilespmem:s20], [sflag:$0x1] =	stream.indirect_vreg.gather [hbm4b:s3+s2], $0x80, v3, vm0, $0xb8;
	[tilespmem:$0x10100] =	vst v63  }
0x8d: {  	v3 =	vld [tilespmem:$0xB0];
	_ =	sdelay $0x4  }
0x8e: {  	v59 =	vshll.u32 v3, $0x1  }
0x8f: {  	v3 =	vand.u32 $0x7, v3;
	v4 =	vand.u32 $0xFFFFFFF0, v59  }
0x90: {  	v3 =	vor.u32 v3, v4  }
0x91: {  	v4 =	vperm.xlane v3, v0;
	_ =	sdelay $0x1  }
0x92: {  	v3 =	vperm.xlane v3, v2;
	v4 =	vadd.s32 v1, v4;
	_ =	sdelay $0x1  }
0x93: {  	v3 =	vadd.s32 v1, v3;
	_ =	sdelay $0x2  }
0x94: {  	[tilespmem:s21], [sflag:$0x1] =	stream.indirect_vreg.gather [hbm4b:s3+s2], $0x80, v4, vm0, $0xb8;
	[tilespmem:$0x10100] =	vst v63  }
0x95: {  	_ = 	snop  }
0x96: {  	[tilespmem:s22], [sflag:$0x1] =	stream.indirect_vreg.gather [hbm4b:s3+s2], $0x80, v3, vm0, $0xb8;
	[tilespmem:$0x10100] =	vst v63  }
0x97: {  	v3 =	vld [tilespmem:$0xC0];
	_ =	sdelay $0x4  }
0x98: {  	v60 =	vshll.u32 v3, $0x1  }
0x99: {  	v3 =	vand.u32 $0x7, v3;
	v4 =	vand.u32 $0xFFFFFFF0, v60  }
0x9a: {  	v3 =	vor.u32 v3, v4  }
0x9b: {  	v4 =	vperm.xlane v3, v0;
	_ =	sdelay $0x1  }
0x9c: {  	v3 =	vperm.xlane v3, v2;
	v4 =	vadd.s32 v1, v4;
	_ =	sdelay $0x1  }
0x9d: {  	v3 =	vadd.s32 v1, v3;
	_ =	sdelay $0x2  }
0x9e: {  	[tilespmem:s23], [sflag:$0x1] =	stream.indirect_vreg.gather [hbm4b:s3+s2], $0x80, v4, vm0, $0xb8;
	[tilespmem:$0x10100] =	vst v63  }
0x9f: {  	_ = 	snop  }
0xa0: {  	[tilespmem:s24], [sflag:$0x1] =	stream.indirect_vreg.gather [hbm4b:s3+s2], $0x80, v3, vm0, $0xb8;
	[tilespmem:$0x10100] =	vst v63  }
0xa1: {  	v3 =	vld [tilespmem:$0xD0];
	_ =	sdelay $0x4  }
0xa2: {  	v61 =	vshll.u32 v3, $0x1  }
0xa3: {  	v3 =	vand.u32 $0x7, v3;
	v4 =	vand.u32 $0xFFFFFFF0, v61  }
0xa4: {  	v3 =	vor.u32 v3, v4  }
0xa5: {  	v4 =	vperm.xlane v3, v0;
	_ =	sdelay $0x1  }
0xa6: {  	v3 =	vperm.xlane v3, v2;
	v4 =	vadd.s32 v1, v4;
	_ =	sdelay $0x1  }
0xa7: {  	v3 =	vadd.s32 v1, v3;
	_ =	sdelay $0x2  }
0xa8: {  	[tilespmem:s25], [sflag:$0x1] =	stream.indirect_vreg.gather [hbm4b:s3+s2], $0x80, v4, vm0, $0xb8;
	[tilespmem:$0x10100] =	vst v63  }
0xa9: {  	_ = 	snop  }
0xaa: {  	[tilespmem:s26], [sflag:$0x1] =	stream.indirect_vreg.gather [hbm4b:s3+s2], $0x80, v3, vm0, $0xb8;
	[tilespmem:$0x10100] =	vst v63  }
0xab: {  	v3 =	vld [tilespmem:$0xE0];
	_ =	sdelay $0x4  }
0xac: {  	v62 =	vshll.u32 v3, $0x1  }
0xad: {  	v3 =	vand.u32 $0x7, v3;
	v4 =	vand.u32 $0xFFFFFFF0, v62  }
0xae: {  	v3 =	vor.u32 v3, v4  }
0xaf: {  	v4 =	vperm.xlane v3, v0;
	_ =	sdelay $0x1  }
0xb0: {  	v3 =	vperm.xlane v3, v2;
	v4 =	vadd.s32 v1, v4;
	_ =	sdelay $0x1  }
0xb1: {  	v3 =	vadd.s32 v1, v3;
	_ =	sdelay $0x2  }
0xb2: {  	[tilespmem:s28], [sflag:$0x1] =	stream.indirect_vreg.gather [hbm4b:s3+s2], $0x80, v4, vm0, $0xb8;
	[tilespmem:$0x10100] =	vst v63  }
0xb3: {  	_ = 	snop  }
0xb4: {  	[tilespmem:s29], [sflag:$0x1] =	stream.indirect_vreg.gather [hbm4b:s3+s2], $0x80, v3, vm0, $0xb8;
	[tilespmem:$0x10100] =	vst v63  }
0xb5: {  	v3 =	vld [tilespmem:$0xF0];
	_ =	sdelay $0x4  }
0xb6: {  	v63 =	vshll.u32 v3, $0x1  }
0xb7: {  	v3 =	vand.u32 $0x7, v3;
	v4 =	vand.u32 $0xFFFFFFF0, v63  }
0xb8: {  	v3 =	vor.u32 v3, v4  }
0xb9: {  	v4 =	vperm.xlane v3, v0;
	_ =	sdelay $0x1  }
0xba: {  	v3 =	vperm.xlane v3, v2;
	v4 =	vadd.s32 v1, v4;
	_ =	sdelay $0x1  }
0xbb: {  	v3 =	vadd.s32 v1, v3;
	_ =	sdelay $0x2  }
0xbc: {  	[tilespmem:s30], [sflag:$0x1] =	stream.indirect_vreg.gather [hbm4b:s3+s2], $0x80, v4, vm0, $0xb8;
	[tilespmem:$0x10100] =	vst v63  }
0xbd: {  	_ = 	snop  }
0xbe: {  	[tilespmem:s31], [sflag:$0x1] =	stream.indirect_vreg.gather [hbm4b:s3+s2], $0x80, v3, vm0, $0xb8;
	[tilespmem:$0x10100] =	vst v63  }
0xbf: {  	_ =	swait.ge [sflag:s1], $0x10000  }
0xc0: {  	p0 =	sne.s32 s4, $0x1;
	[sflag:s1] =	ssyncset.done $0x0  }
.Ltmp0:
0xc1: {  	s7 =	rddreg [dreg:$0x3];
	[sflag:s1] =	ssyncadd.s32 $0xFFFF0000;
	(pc) =	sbr.rel @p0 .LBB2_1-.Ltmp0, $4  }
0xc2: {  	[hbm4b:s7+s2] =	stream.linear.scatter [tilespmem:s6], [sflag:$0x2], $0x10000, $0x38;
	[tilespmem:$0x10100] =	vst v63  }
0xc3: {  	_ =	swait.ge [sflag:s5], $0x10000  }
0xc4: {  	[sflag:s5] =	ssyncset.done $0x0  }
0xc5: {  	s4 =	sadd.s32 $0xFFFFFFFF, s4;
	[sflag:s5] =	ssyncadd.s32 $0xFFFF0000  }
0xc6: {  	_ =	sfence.sel $0x180000  }
0xc7: {  	[bflag:$0x0] =	sbarrier.arrive $0xFFFF  }
0xc8: {  	_ =	strace $0x9000004A  }
0xc9: {  	s0 =	stileid.u32;
	[bflag:$0x2] =	sbarrier.arrive $0xFFFF  }
0xca: {  	p0 =	sne.s32 s0, $0x0;
	s0 =	rddreg [dreg:$0x1]  }
0xcb: {  	s0 =	sadd.s32 @!p0 $0x100000, s0  }
0xcc: {  	[sflag:s0] =	ssyncadd.tile.s32 @!p0 $0x1;
	_ =	shalt  }
.Lfunc_end2:
_tile_overlayer_lowered:
.L_overlay_start_2:
0xcd: {  	(tag) =	ssettag $0x2  }
0xce: {  	s0 =	rddreg [dreg:$0x0];
	s2 =	stileid.u32  }
0xcf: {  	s1 =	rddreg [dreg:$0x1];
	p0 =	sne.s32 s2, $0x0  }
0xd0: {  	s3 =	rddreg [dreg:$0x2];
	[bflag:$0x3] =	sbarrier.arrive $0xFFFF;
	s2 =	simm.s32 @!p0 $0x1C02  }
0xd1: {  	[timem:s3], [sflag:s2] =	dma.local @!p0 [hbm:s0], s1  }
0xd2: {  	s0 =	simm.s32 @!p0 $0x2  }
0xd3: {  	_ =	swait.ge @!p0 [sflag:s0], s1  }
0xd4: {  	s1 =	ssub.s32 @!p0 $0x0, s1;
	[sflag:s0] =	ssyncset.done @!p0 $0x0  }
0xd5: {  	[sflag:s0] =	ssyncadd.s32 @!p0 s1  }
0xd6: {  	[bflag:$0x3] =	sbarrier.arrive $0xFFFF  }
0xd7: {  	_ =	shalt  }

// kernel: kernel.7.cloned.1.call-start
scs
__scs_entry_jumppad:
0x0: {  	(pc) =	sbr.rel $0x88, $3  }
0x1: {  	(tag) =	ssettag $0x0;
	lr =	simm.s32 $0x1  }
0x2: {  	[smem:$0x3F96] =	sst lr;
	_ =	strace $0xD0000000  }
0x3: {  	_ = 	snop  }
0x4: {  	_ = 	snop  }
0x5: {  	_ = 	snop  }
0x6: {  	_ = 	snop  }
0x7: {  	_ = 	snop  }
__scs_overlays_trampoline_lowered:
0x8: {  	[smem:$0x3FA5] =	sst s0  }
0x9: {  	[smem:$0x3FA6] =	sst s1  }
0xa: {  	[smem:$0x3FA7] =	sst s2  }
0xb: {  	[smem:$0x3FA8] =	sst s3  }
0xc: {  	[smem:$0x3FA9] =	sst s4  }
0xd: {  	[smem:$0x3FAA] =	sst s5  }
0xe: {  	[smem:$0x3FAB] =	sst s6  }
0xf: {  	[smem:$0x3FAC] =	sst s7  }
0x10: {  	[smem:$0x3FAD] =	sst s8  }
0x11: {  	[smem:$0x3FAE] =	sst s9;
	s0 =	simm.s32 @!p0 $0x0  }
0x12: {  	s1 =	sld [smem:$0x3F94];
	s0 =	simm.s32 @p0 $0x1  }
0x13: {  	[smem:$0x3FAF] =	sst s0;
	s0 =	simm.s32 @!p1 $0x0  }
0x14: {  	s2 =	sld [smem:$0x3F93];
	s0 =	simm.s32 @p1 $0x1  }
0x15: {  	[smem:$0x3FB0] =	sst s0;
	s0 =	simm.s32 @!p2 $0x0  }
0x16: {  	s3 =	sld [smem:$0x3FDB];
	s0 =	simm.s32 @p2 $0x1  }
0x17: {  	s4 =	simm.s32 $0x1BF5;
	[smem:$0x3FB2] =	sst s0  }
0x18: {  	s0 =	sld [smem:$0x3F95];
	_ =	swait.ge [sflag:s4], $0x0  }
0x19: {  	s7 =	sld [smem:$0x3F96]  }
0x1a: {  	s8 =	sadd.s32 $0xFFFFE003, lr  }
0x1b: {  	s9 =	sadd.s32 $0xFFFFFEF7, lr;
	s5 =	simm.s32 $0xFFFFFFFF;
	p2 =	slt.u32 s8, $0xFFFFF086  }
0x1c: {  	p1 =	slt.u32 s9, $0xF7A;
	s5 =	simm.s32 @!p2 $0x0  }
0x1d: {  	s5 =	simm.s32 @p1 $0x1;
	p0 =	seq.s32 s7, s2  }
0x1e: {  	s7 =	smul.u32 @!p0 $0xF7A, s2;
	p2 =	seq.s32 @!p0 s5, $0x0  }
0x1f: {  	s9 =	smul.u32 $0xF7A, s1;
	s8 =	simm.s32 @!p0 $0x1BF5;
	p2 =	por !p2, p0  }
0x20: {  	[sflag:s8] =	ssyncset.s32 @!p0 $0xFFFFF086;
	s6 =	sadd.s32 @!p0 s3, s7;
	s7 =	simm.s32 @!p0 $0x108  }
0x21: {  	s3 =	sadd.s32 s3, s9;
	s6 =	sadd.s32 @!p0 $0x88, s6;
	s7 =	simm.s32 @p2 $0x1082  }
0x22: {  	[simem:s7], [sflag:s8] =	dma.local @!p0 [hbm:s6], $0xF7A  }
0x23: {  	s9 =	sor.u32 $0xD0000000, s2;
	s6 =	simm.s32 $0x108;
	_ =	swait.ge @!p0 [sflag:s8], $0x0  }
0x24: {  	s3 =	sadd.s32 $0x88, s3;
	s6 =	simm.s32 @!p1 $0x1082;
	[sflag:s4] =	ssyncset.s32 $0xFFFFF086  }
0x25: {  	[simem:s6], [sflag:s4] =	dma.local [hbm:s3], $0xF7A  }
0x26: {  	[smem:$0x3F96] =	sst s1;
	(tag) =	ssettag s2;
	_ =	strace s9  }
0x27: {  	s1 =	sld [smem:$0x3FA6]  }
0x28: {  	s2 =	sld [smem:$0x3FA7]  }
0x29: {  	s4 =	sld [smem:$0x3FA9]  }
0x2a: {  	p0 =	seq.s32 s5, $0x0;
	s5 =	sld [smem:$0x3FAA]  }
0x2b: {  	s6 =	sld [smem:$0x3FAB]  }
0x2c: {  	s7 =	sld [smem:$0x3FAC]  }
0x2d: {  	s3 =	simm.s32 $0x108;
	s8 =	sld [smem:$0x3FAD]  }
0x2e: {  	s3 =	simm.s32 @!p0 $0x1082;
	s9 =	sld [smem:$0x3FAE]  }
0x2f: {  	lr =	sadd.s32 s0, s3;
	s0 =	sld [smem:$0x3FA5]  }
0x30: {  	s3 =	sld [smem:$0x3FA8]  }
0x31: {  	[smem:$0x3FB1] =	sst s10  }
0x32: {  	s10 =	sld [smem:$0x3FAF];
	_ =	sdelay $0x3  }
0x33: {  	p0 =	seq.s32 s10, $0x1;
	s10 =	sld [smem:$0x3FB1];
	_ =	sdelay $0x3  }
0x34: {  	[smem:$0x3FB1] =	sst s10  }
0x35: {  	s10 =	sld [smem:$0x3FB0];
	_ =	sdelay $0x3  }
0x36: {  	p1 =	seq.s32 s10, $0x1;
	s10 =	sld [smem:$0x3FB1];
	_ =	sdelay $0x3  }
0x37: {  	[smem:$0x3FB1] =	sst s10  }
0x38: {  	s10 =	sld [smem:$0x3FB2]  }
0x39: {  	_ = 	snop;
	(pc) =	sbr.ind lr, $3  }
0x3a: {  	_ = 	snop  }
0x3b: {  	_ = 	snop  }
0x3c: {  	p2 =	seq.s32 s10, $0x1;
	s10 =	sld [smem:$0x3FB1]  }
0x3d: {  	_ =	shalt  }
0x3e: {  	_ =	shalt  }
0x3f: {  	_ =	shalt  }
0x40: {  	_ =	shalt  }
0x41: {  	_ =	shalt  }
0x42: {  	_ =	shalt  }
0x43: {  	_ =	shalt  }
0x44: {  	_ =	shalt  }
0x45: {  	_ =	shalt  }
0x46: {  	_ =	shalt  }
0x47: {  	_ =	shalt  }
0x48: {  	_ =	shalt  }
0x49: {  	_ =	shalt  }
0x4a: {  	_ =	shalt  }
0x4b: {  	_ =	shalt  }
0x4c: {  	_ =	shalt  }
0x4d: {  	_ =	shalt  }
0x4e: {  	_ =	shalt  }
0x4f: {  	_ =	shalt  }
0x50: {  	_ =	shalt  }
0x51: {  	_ =	shalt  }
0x52: {  	_ =	shalt  }
0x53: {  	_ =	shalt  }
0x54: {  	_ =	shalt  }
0x55: {  	_ =	shalt  }
0x56: {  	_ =	shalt  }
0x57: {  	_ =	shalt  }
0x58: {  	_ =	shalt  }
0x59: {  	_ =	shalt  }
0x5a: {  	_ =	shalt  }
0x5b: {  	_ =	shalt  }
0x5c: {  	_ =	shalt  }
0x5d: {  	_ =	shalt  }
0x5e: {  	_ =	shalt  }
0x5f: {  	_ =	shalt  }
0x60: {  	_ =	shalt  }
0x61: {  	_ =	shalt  }
0x62: {  	_ =	shalt  }
0x63: {  	_ =	shalt  }
0x64: {  	_ =	shalt  }
0x65: {  	_ =	shalt  }
0x66: {  	_ =	shalt  }
0x67: {  	_ =	shalt  }
0x68: {  	_ =	shalt  }
0x69: {  	_ =	shalt  }
0x6a: {  	_ =	shalt  }
0x6b: {  	_ =	shalt  }
0x6c: {  	_ =	shalt  }
0x6d: {  	_ =	shalt  }
0x6e: {  	_ =	shalt  }
0x6f: {  	_ =	shalt  }
0x70: {  	_ =	shalt  }
0x71: {  	_ =	shalt  }
0x72: {  	_ =	shalt  }
0x73: {  	_ =	shalt  }
0x74: {  	_ =	shalt  }
0x75: {  	_ =	shalt  }
0x76: {  	_ =	shalt  }
0x77: {  	_ =	shalt  }
0x78: {  	_ =	shalt  }
0x79: {  	_ =	shalt  }
0x7a: {  	_ =	shalt  }
0x7b: {  	_ =	shalt  }
0x7c: {  	_ =	shalt  }
0x7d: {  	_ =	shalt  }
0x7e: {  	_ =	shalt  }
0x7f: {  	_ =	shalt  }
0x80: {  	_ =	shalt  }
0x81: {  	_ =	shalt  }
0x82: {  	_ =	shalt  }
0x83: {  	_ =	shalt  }
0x84: {  	_ =	shalt  }
0x85: {  	_ =	shalt  }
0x86: {  	_ =	shalt  }
0x87: {  	_ =	shalt  }
.Lfunc_end0:
.L_simem_size_0:
called_computation_lowered:
.L_overlay_start_0:
0x88: {  	s2 =	sld [smem:$0x3FD9]  }
0x89: {  	s3 =	sld [smem:$0x3FFE];
	_ =	sdelay $0x1  }
0x8a: {  	s1 =	srdreg.scid  }
0x8b: {  	s0 =	sand.u32 $0x1, s1  }
0x8c: {  	s17 =	sshll.u32 s0, $0xA;
	s2 =	sadd.s32 s3, s2  }
0x8d: {  	s2 =	sadd.s32 s2, s17  }
0x8e: {  	[smem:$0x3FBD] =	sst s2  }
0x8f: {  	_ = 	snop  }
0x90: {  	s2 =	sld [smem:$0x3FC7];
	(tm) =	ssettm $0x1  }
0x91: {  	s18 =	sld [smem:$0x3FFB];
	_ =	sdelay $0x3  }
0x92: {  	_ =	strace s18  }
0x93: {  	s3 =	sld [smem:$0x3FFC];
	_ =	sdelay $0x3  }
0x94: {  	_ =	strace s3  }
0x95: {  	s3 =	sld [smem:$0x3FFD];
	_ =	sdelay $0x3  }
0x96: {  	_ =	strace s3  }
0x97: {  	_ =	strace $0x8FFFFFFF  }
0x98: {  	s19 =	sld [smem:$0x3FDB];
	_ =	sdelay $0x1  }
0x99: {  	s4 =	simm.s32 $_scs_section_size  }
0x9a: {  	s5 =	simm.s32 $_size__tile_overlayer_lowered;
	s6 =	simm.s32 $_tile_overlayer_lowered  }
0x9b: {  	s22 =	simm.s32 $0x1BFF;
	s21 =	sshll.u32 s6, $0x1;
	s3 =	sadd.s32 s4, s19  }
0x9c: {  	s7 =	simm.s32 $0x0;
	s20 =	sshll.u32 s5, $0x1;
	s5 =	sadd.s32 s21, s3  }
0x9d: {  	[timem:s7], [sflag:s22] =	dma.local [hbm:s5], s20  }
0x9e: {  	_ =	swait.ge [sflag:s22], s20  }
0x9f: {  	s4 =	ssub.s32 $0x0, s20;
	[sflag:s22] =	ssyncset.done $0x0  }
0xa0: {  	[sflag:s22] =	ssyncadd.s32 s4;
	_ =	sdelay $0x1  }
0xa1: {  	s23 =	simm.s32 $0x1B8B  }
0xa2: {  	_ =	swait.ge [sflag:s23], $0x1  }
0xa3: {  	[sflag:s23] =	ssyncset.done $0x0  }
0xa4: {  	s25 =	simm.s32 $0x1B8E;
	s24 =	sld [smem:$0x3FFE];
	[sflag:s23] =	ssyncadd.s32 $0xFFFFFFFF  }
0xa5: {  	s26 =	simm.s32 $execute0_lowered;
	[smem:$0x3FD2] =	sst s25  }
0xa6: {  	s5 =	sshll.u32 s26, $0x1;
	_ =	strace $0x80000046;
	[dreg:$0x1] =	wrdreg $0xFFFFFFFF  }
0xa7: {  	s28 =	simm.s32 $_size_execute0_lowered;
	s3 =	sadd.s32 s3, s5;
	[dreg:$0x0] =	wrdreg $0x0  }
0xa8: {  	s5 =	sshll.u32 s28, $0x1;
	[dreg:$0x2] =	wrdreg s3  }
0xa9: {  	[dreg:$0x3] =	wrdreg s5  }
0xaa: {  	[dreg:$0x4] =	wrdreg $0xC0  }
0xab: {  	_ =	task [dreg:s7], $0x5FFFF  }
0xac: {  	[dreg:$0x1] =	wrdreg $0xFFFFFFFF  }
0xad: {  	[dreg:$0x0] =	wrdreg $0x60  }
0xae: {  	[dreg:$0x2] =	wrdreg s24  }
0xaf: {  	[dreg:$0x3] =	wrdreg s2  }
0xb0: {  	[dreg:$0x4] =	wrdreg $0x9  }
0xb1: {  	_ =	task.clear_ibuf [dreg:s7], $0x5FFFF;
	_ =	strace $0x90000046  }
0xb2: {  	s29 =	simm.s32 $0x9;
	_ =	strace $0x80000048  }
0xb3: {  	_ =	swait.ge [sflag:s29], $0x1  }
0xb4: {  	[sflag:s29] =	ssyncadd.s32 $0xFFFFFFFF  }
0xb5: {  	_ =	strace $0x90000048  }
0xb6: {  	_ =	sfence  }
0xb7: {  	s30 =	sld [smem:$0x0];
	_ =	sdelay $0x2  }
0xb8: {  	s31 =	sshll.u32 s1, $0xD;
	s1 =	sshrl.u32 s1, $0x2  }
0xb9: {  	s3 =	sand.u32 $0x4000, s31;
	s1 =	sadd.s32 s1, s30  }
0xba: {  	s0 =	sor.u32 s3, s0;
	s1 =	sshll.u32 s1, $0x11  }
0xbb: {  	s0 =	sor.u32 s1, s0  }
0xbc: {  	s0 =	sadd.s32 $0x8F2B, s0  }
0xbd: {  	[sflag:s0] =	ssyncadd.remote.s32 $0x1  }
0xbe: {  	_ =	sfence.sel $0xFFFF  }
0xbf: {  	[dreg:$0x0] =	wrdreg $0xFFFFFFFF;
	(pc) =	sbr.abs _section_cstart, $3  }
0xc0: {  	[dreg:$0x1] =	wrdreg $0xFFFFFFFF  }
0xc1: {  	_ =	task.clear_ibuf [dreg:s7], $0x2FFFF;
	_ =	strace $0x9FFFFFFF  }
0xc2: {  	(tm) =	ssettm $0x7FFFFFFF  }
0xc3: {  	_ =	shalt  }
tec
execute0_lowered:
.L_overlay_start_1:
0x0: {  	(tag) =	ssettag $0x1  }
0x1: {  	s1 =	srdreg.scid  }
0x2: {  	s9 =	rddreg [dreg:$0x0];
	s0 =	stileid.u32;
	s7 =	sand.u32 $0x1, s1  }
0x3: {  	s3 =	rddreg [dreg:$0x1];
	s4 =	sshll.u32 s0, $0x5;
	s5 =	sshll.u32 s7, $0x4  }
0x4: {  	s2 =	simm.s32 $0x0;
	s1 =	rddreg [dreg:$0x2];
	s10 =	sor.u32 s5, s4  }
0x5: {  	[smem:$0x7FF] =	sst s2;
	s4 =	sshrl.u32 s10, $0x3  }
0x6: {  	_ =	strace $0x80000047;
	s4 =	sadd.s32 s3, s4;
	s3 =	simm.s32 $0x2  }
0x7: {  	[tilespmem:s2], [sflag:$0x2] =	stream.linear.gather [hbm4b:s4+s2], $0x10, $0x38;
	[tilespmem:$0x1080] =	vst v63  }
0x8: {  	_ =	swait.ge [sflag:s3], $0x10  }
0x9: {  	[sflag:s3] =	ssyncset.done $0x0  }
0xa: {  	[sflag:s3] =	ssyncadd.s32 $0xFFFFFFF0  }
0xb: {  	v0 =	vld [tilespmem:$0x0];
	_ =	sdelay $0x4  }
0xc: {  	v1 =	vshll.u32 v0, $0x1  }
0xd: {  	v2 =	vlaneseq.u32;
	v3 =	vand.u32 $0x7, v0;
	v1 =	vand.u32 $0xFFFFFFF0, v1  }
0xe: {  	v4 =	vshrl.u32 v2, $0x3;
	v0 =	vand.u32 $0x7, v2;
	v3 =	vor.u32 v3, v1  }
0xf: {  	v1 =	vmul.u32 $0x8, v4;
	v63 =	vperm.xlane v3, v0  }
0x10: {  	v2 =	vor.u32 $0x8, v2  }
0x11: {  	v3 =	vperm.xlane v3, v2;
	v4 =	vadd.s32 v1, v63;
	_ =	sdelay $0x1  }
0x12: {  	s11 =	ssub.s32 $0x2, s7;
	v3 =	vadd.s32 v1, v3  }
0x13: {  	s12 =	sshrl.u32 s11, $0x1  }
0x14: {  	vm0 =	vmmov $0xffff;
	s6 =	simm.s32 $0x80;
	s5 =	sadd.s32 $0x30D600, s9;
	s11 =	ssub.s32 s11, s12  }
0x15: {  	[tilespmem:s6], [sflag:$0x1] =	stream.indirect_vreg.gather [hbm4b:s5+s2], $0x80, v4, vm0, $0xb8;
	[tilespmem:$0x1080] =	vst v63  }
0x16: {  	s8 =	simm.s32 $0x1;
	s7 =	simm.s32 $0x880;
	s31 =	smax.u32 s11, $0x1  }
0x17: {  	[tilespmem:s7], [sflag:$0x1] =	stream.indirect_vreg.gather [hbm4b:s5+s2], $0x80, v3, vm0, $0xb8;
	[tilespmem:$0x1080] =	vst v63  }
0x18: {  	p0 =	sne.s32 s31, $0x1;
	_ =	swait.ge [sflag:s8], $0x1000  }
.Ltmp0:
0x19: {  	s10 =	sshll.u32 s10, $0x5;
	[sflag:s8] =	ssyncset.done $0x0;
	(pc) =	sbr.rel @!p0 .LBB2_2-.Ltmp0, $4  }
0x1a: {  	s9 =	sadd.s32 s9, s10;
	[sflag:s8] =	ssyncadd.s32 $0xFFFFF000  }
0x1b: {  	[hbm4b:s9+s2] =	stream.linear.scatter [tilespmem:s6], [sflag:$0x2], $0x1000, $0x38;
	[tilespmem:$0x1080] =	vst v63  }
0x1c: {  	_ =	swait.ge [sflag:s3], $0x1000  }
0x1d: {  	s10 =	sadd.s32 $0xFFFFFFFF, s31;
	[sflag:s3] =	ssyncset.done $0x0  }
.LBB2_1:
0x1e: {  	p0 =	sne.s32 s10, $0x1;
	s10 =	sadd.s32 $0xFFFFFFFF, s10;
	[sflag:s3] =	ssyncadd.s32 $0xFFFFF000  }
0x1f: {  	[tilespmem:s2], [sflag:$0x2] =	stream.linear.gather [hbm4b:s4+s2], $0x10, $0x38;
	[tilespmem:$0x1080] =	vst v63  }
0x20: {  	_ =	swait.ge [sflag:s3], $0x10  }
0x21: {  	[sflag:s3] =	ssyncset.done $0x0  }
0x22: {  	[sflag:s3] =	ssyncadd.s32 $0xFFFFFFF0  }
0x23: {  	v3 =	vld [tilespmem:$0x0];
	_ =	sdelay $0x4  }
0x24: {  	v4 =	vshll.u32 v3, $0x1  }
0x25: {  	v3 =	vand.u32 $0x7, v3;
	v4 =	vand.u32 $0xFFFFFFF0, v4  }
0x26: {  	v3 =	vor.u32 v3, v4  }
0x27: {  	v4 =	vperm.xlane v3, v0;
	v3 =	vperm.xlane v3, v2;
	_ =	sdelay $0x1  }
0x28: {  	v4 =	vadd.s32 v1, v4;
	_ =	sdelay $0x1  }
0x29: {  	v3 =	vadd.s32 v1, v3;
	_ =	sdelay $0x2  }
0x2a: {  	[tilespmem:s6], [sflag:$0x1] =	stream.indirect_vreg.gather [hbm4b:s5+s2], $0x80, v4, vm0, $0xb8;
	[tilespmem:$0x1080] =	vst v63  }
0x2b: {  	_ = 	snop  }
0x2c: {  	[tilespmem:s7], [sflag:$0x1] =	stream.indirect_vreg.gather [hbm4b:s5+s2], $0x80, v3, vm0, $0xb8;
	[tilespmem:$0x1080] =	vst v63  }
0x2d: {  	_ =	swait.ge [sflag:s8], $0x1000  }
.Ltmp1:
0x2e: {  	[sflag:s8] =	ssyncset.done $0x0;
	(pc) =	sbr.rel @p0 .LBB2_1-.Ltmp1, $4  }
0x2f: {  	[sflag:s8] =	ssyncadd.s32 $0xFFFFF000  }
0x30: {  	[hbm4b:s9+s2] =	stream.linear.scatter [tilespmem:s6], [sflag:$0x2], $0x1000, $0x38;
	[tilespmem:$0x1080] =	vst v63  }
0x31: {  	_ =	swait.ge [sflag:s3], $0x1000  }
0x32: {  	[sflag:s3] =	ssyncset.done $0x0  }
.LBB2_2:
0x33: {  	[sflag:s3] =	ssyncadd.s32 $0xFFFFF000  }
0x34: {  	_ =	sfence.sel $0x180000  }
0x35: {  	[bflag:$0x0] =	sbarrier.arrive $0xFFFF  }
0x36: {  	p0 =	sne.s32 s0, $0x0;
	_ =	strace $0x90000047  }
0x37: {  	s0 =	sadd.s32 @!p0 $0x100000, s1;
	[bflag:$0x2] =	sbarrier.arrive $0xFFFF  }
0x38: {  	[sflag:s0] =	ssyncadd.tile.s32 @!p0 $0x1;
	_ =	shalt  }
.Lfunc_end2:
_tile_overlayer_lowered:
.L_overlay_start_2:
0x39: {  	(tag) =	ssettag $0x2  }
0x3a: {  	s0 =	rddreg [dreg:$0x0];
	s2 =	stileid.u32  }
0x3b: {  	s1 =	rddreg [dreg:$0x1];
	p0 =	sne.s32 s2, $0x0  }
0x3c: {  	s3 =	rddreg [dreg:$0x2];
	[bflag:$0x3] =	sbarrier.arrive $0xFFFF;
	s2 =	simm.s32 @!p0 $0x1C02  }
0x3d: {  	[timem:s3], [sflag:s2] =	dma.local @!p0 [hbm:s0], s1  }
0x3e: {  	s0 =	simm.s32 @!p0 $0x2  }
0x3f: {  	_ =	swait.ge @!p0 [sflag:s0], s1  }
0x40: {  	s1 =	ssub.s32 @!p0 $0x0, s1;
	[sflag:s0] =	ssyncset.done @!p0 $0x0  }
0x41: {  	[sflag:s0] =	ssyncadd.s32 @!p0 s1  }
0x42: {  	[bflag:$0x3] =	sbarrier.arrive $0xFFFF  }
0x43: {  	_ =	shalt  }

</sc_bundles>
